<compile_context>
chip_gen: v7x
topology: tpu7x:2x2x1
jax: 0.10.2.dev20260603
libtpu: 0.0.44.dev20260713+nightly
codegen_flags: <defaults>
</compile_context>

<pallas_src>
import functools

import jax
import jax.numpy as jnp
from jax import lax
from jax.experimental import pallas as pl
from jax.experimental.pallas import tpu as pltpu
from jax.experimental.pallas import tpu_sc as plsc

_N, _E, _D = 10000, 320000, 128
_NC, _NS = 2, 16
_NW = _NC * _NS
_K = 128
_NCHUNK = _E // _K
_F_HI = 80
_F_LO = 72
_NHI = 24
_NEPI = _NCHUNK - _NHI * _F_HI - (_NW - _NHI) * _F_LO
_RPAD = 10112
_RPT = _RPAD // _NS


def _mlp1(x, W1, b1):
    blk = 2000

    def body(x_ref, w_ref, b_ref, o_ref):
        h = jnp.dot(x_ref[...], w_ref[...], preferred_element_type=jnp.float32)
        o_ref[...] = jnp.maximum(h + b_ref[...], 0.0)

    return pl.pallas_call(
        body,
        grid=(_N // blk,),
        in_specs=[
            pl.BlockSpec((blk, _D), lambda i: (i, 0)),
            pl.BlockSpec((_D, _D), lambda i: (0, 0)),
            pl.BlockSpec((1, _D), lambda i: (0, 0)),
        ],
        out_specs=pl.BlockSpec((blk, _D), lambda i: (i, 0)),
        out_shape=jax.ShapeDtypeStruct((_N, _D), jnp.float32),
    )(x, W1, b1.reshape(1, _D))


def _sc_aggregate(h, row1, col1):
    mesh = plsc.VectorSubcoreMesh(core_axis_name="c", subcore_axis_name="s")

    @functools.partial(
        pl.kernel,
        mesh=mesh,
        out_type=jax.ShapeDtypeStruct((_NC, _RPAD, _D), jnp.float32),
        scratch_types=[
            pltpu.VMEM((_F_HI * _K,), jnp.int32),
            pltpu.VMEM((_K,), jnp.int32),
            pltpu.VMEM((_K,), jnp.int32),
            pltpu.VMEM((_K,), jnp.int32),
            pltpu.VMEM((_K, _D), jnp.float32),
            pltpu.VMEM((_K, _D), jnp.float32),
            pltpu.VMEM_SHARED((_RPAD, _D), jnp.float32),
            pltpu.SemaphoreType.DMA,
            pltpu.SemaphoreType.DMA,
            pltpu.SemaphoreType.DMA,
            pltpu.SemaphoreType.DMA,
            pltpu.SemaphoreType.DMA,
            pltpu.SemaphoreType.DMA,
        ],
    )
    def agg_kernel(h_hbm, row_hbm, col_hbm, out_hbm,
                   colv, rowb0, rowb1, colbe, rows0, rows1, acc_sh,
                   gsem0, gsem1, ssem0, ssem1, rsem0, rsem1):
        cid = lax.axis_index("c")
        sid = lax.axis_index("s")
        wid = sid * _NC + cid
        hi = wid < _NHI
        fh = jnp.where(hi, _F_HI // 2, _F_LO // 2)
        gbase = jnp.where(hi, wid * _F_HI,
                          _NHI * _F_HI + (wid - _NHI) * _F_LO)

        def zrow(r, carry):
            for j in range(_D // 16):
                rows0[r, pl.ds(j * 16, 16)] = jnp.zeros((16,), jnp.float32)
            return carry

        lax.fori_loop(0, _K, zrow, 0)
        for k in range(_RPT // _K):
            pltpu.sync_copy(rows0,
                            acc_sh.at[pl.ds(sid * _RPT + k * _K, _K)])
        _tail = _RPT % _K
        pltpu.sync_copy(rows0.at[pl.ds(0, _tail)],
                        acc_sh.at[pl.ds(sid * _RPT + _RPT - _tail, _tail)])

        @pl.when(hi)
        def _():
            pltpu.sync_copy(col_hbm.at[pl.ds(gbase * _K, _F_HI * _K)], colv)

        @pl.when(jnp.logical_not(hi))
        def _():
            pltpu.sync_copy(col_hbm.at[pl.ds(gbase * _K, _F_LO * _K)],
                            colv.at[pl.ds(0, _F_LO * _K)])

        plsc.subcore_barrier()

        def rowload(c, rowb, sem):
            return pltpu.async_copy(
                row_hbm.at[pl.ds((gbase + c) * _K, _K)], rowb, sem)

        def rowload_wait(c, rowb, sem):
            pltpu.make_async_copy(
                row_hbm.at[pl.ds((gbase + c) * _K, _K)], rowb, sem).wait()

        def gather(c, rows, sem):
            pltpu.async_copy(h_hbm.at[colv.at[pl.ds(c * _K, 64)]],
                             rows.at[pl.ds(0, 64)], sem)
            pltpu.async_copy(h_hbm.at[colv.at[pl.ds(c * _K + 64, 64)]],
                             rows.at[pl.ds(64, 64)], sem)

        def gather_wait(c, rows, sem):
            pltpu.make_async_copy(h_hbm.at[colv.at[pl.ds(c * _K, 64)]],
                                  rows.at[pl.ds(0, 64)], sem).wait()
            pltpu.make_async_copy(h_hbm.at[colv.at[pl.ds(c * _K + 64, 64)]],
                                  rows.at[pl.ds(64, 64)], sem).wait()

        def scatter(rowb, rows, sem):
            return pltpu.async_copy(rows, acc_sh.at[rowb], sem, add=True)

        def scatter_wait(rowb, rows, sem):
            pltpu.make_async_copy(rows, acc_sh.at[rowb], sem).wait()

        rowload(0, rowb0, rsem0)
        rowload(1, rowb1, rsem1)
        gather(0, rows0, gsem0)

        def body(i, carry):
            c0 = 2 * i
            c1 = c0 + 1

            @pl.when(i < fh)
            def _():
                gather_wait(c0, rows0, gsem0)

                @pl.when(i > 0)
                def _():
                    scatter_wait(rowb1, rows1, ssem1)

                gather(c1, rows1, gsem1)
                rowload_wait(c0, rowb0, rsem0)
                scatter(rowb0, rows0, ssem0)
                gather_wait(c1, rows1, gsem1)
                scatter_wait(rowb0, rows0, ssem0)

                @pl.when(i < fh - 1)
                def _():
                    rowload(c0 + 2, rowb0, rsem0)
                    gather(c0 + 2, rows0, gsem0)

                rowload_wait(c1, rowb1, rsem1)
                scatter(rowb1, rows1, ssem1)

                @pl.when(i < fh - 1)
                def _():
                    rowload(c1 + 2, rowb1, rsem1)

            return carry

        lax.fori_loop(0, _F_HI // 2, body, 0)
        scatter_wait(rowb1, rows1, ssem1)

        @pl.when(wid < _NEPI)
        def _():
            g = _NHI * _F_HI + (_NW - _NHI) * _F_LO + wid
            pltpu.sync_copy(col_hbm.at[pl.ds(g * _K, _K)], colbe)
            pltpu.sync_copy(row_hbm.at[pl.ds(g * _K, _K)], rowb0)
            pltpu.async_copy(h_hbm.at[colbe], rows0, gsem0).wait()
            scatter(rowb0, rows0, ssem0)
            scatter_wait(rowb0, rows0, ssem0)

        plsc.subcore_barrier()
        pltpu.sync_copy(acc_sh.at[pl.ds(sid * _RPT, _RPT)],
                        out_hbm.at[cid, pl.ds(sid * _RPT, _RPT)])

    return agg_kernel(h, row1, col1)


def _mlp2(agg, W2, b2):
    blk = 2000

    def body(a_ref, w_ref, b_ref, o_ref):
        a = a_ref[0] + a_ref[1]
        out = jnp.dot(a, w_ref[...], preferred_element_type=jnp.float32)
        out = out + b_ref[...]
        m = jnp.max(out, axis=1, keepdims=True)
        lse = jnp.log(jnp.sum(jnp.exp(out - m), axis=1, keepdims=True)) + m
        o_ref[...] = out - lse

    return pl.pallas_call(
        body,
        grid=(_N // blk,),
        in_specs=[
            pl.BlockSpec((_NC, blk, _D), lambda i: (0, i, 0)),
            pl.BlockSpec((_D, _D), lambda i: (0, 0)),
            pl.BlockSpec((1, _D), lambda i: (0, 0)),
        ],
        out_specs=pl.BlockSpec((blk, _D), lambda i: (i, 0)),
        out_shape=jax.ShapeDtypeStruct((_N, _D), jnp.float32),
    )(agg, W2, b2.reshape(1, _D))


def kernel(x, adj_or_edge_index, W1, b1, W2, b2):
    row1 = adj_or_edge_index[0]
    col1 = adj_or_edge_index[1]
    h = _mlp1(x, W1, b1)
    agg = _sc_aggregate(h, row1, col1)
    return _mlp2(agg, W2, b2)

# --- scband reference (transcript-rebuilt; emitter-appended) ---
"""Pipeline reference for scband-memory-efficient-gnn-5257039970574 (READ-ONLY COPY).

The authoritative reference and input builder live on the scoring server;
editing this copy changes nothing except your own understanding.
"""

import jax, jax.numpy as jnp
import numpy as np

N_NODES = 10000
N_EDGES = 320000
D_IN = 128
D_HID = 128
D_OUT = 128


def setup_inputs(seed: int = 0) -> dict:
    key = jax.random.key(seed)
    k_x, k_ei, k_w1, k_b1, k_w2, k_b2 = jax.random.split(key, 6)
    x = jax.random.normal(k_x, (N_NODES, D_IN), dtype=jnp.float32)
    adj_or_edge_index = jax.random.randint(k_ei, (2, N_EDGES), 0, N_NODES, dtype=jnp.int32)
    W1 = jax.random.normal(k_w1, (D_IN, D_HID), dtype=jnp.float32) * 0.02
    b1 = jax.random.normal(k_b1, (D_HID,), dtype=jnp.float32) * 0.02
    W2 = jax.random.normal(k_w2, (D_HID, D_OUT), dtype=jnp.float32) * 0.02
    b2 = jax.random.normal(k_b2, (D_OUT,), dtype=jnp.float32) * 0.02
    return {"x": x, "adj_or_edge_index": adj_or_edge_index, "W1": W1, "b1": b1, "W2": W2, "b2": b2}


def reference(x, adj_or_edge_index, W1, b1, W2, b2):
    # Eval mode: dropout is identity.
    h = jax.nn.relu(x @ W1 + b1)
    # Sparse adjacency matmul: adj_t = SparseTensor(row, col, value=1.0);
    # out[row] += 1.0 * h[col]  (scatter-add message passing)
    row = adj_or_edge_index[0]
    col = adj_or_edge_index[1]
    agg = jnp.zeros_like(h).at[row].add(h[col])
    out = agg @ W2 + b2
    return jax.nn.log_softmax(out, axis=1)

if __name__ == "__main__":
    import jax
    _d = setup_inputs()
    print(jax.jit(kernel)(*tuple(_d.values())))

</pallas_src>

<mosaic_0001>
#map = affine_map<(d0, d1) -> (0, 0)>
#map1 = affine_map<(d0, d1) -> (0)>
#map2 = affine_map<(d0, d1) -> (0, 0, 0)>
module attributes {stable_mosaic.version = 14 : i64} {
  func.func @agg_kernel(%arg0: i32, %arg1: i32, %arg2: memref<10000x128xf32, #tpu.memory_space<hbm>>, %arg3: memref<320000xi32, #tpu.memory_space<hbm>>, %arg4: memref<320000xi32, #tpu.memory_space<hbm>>, %arg5: memref<2x10112x128xf32, #tpu.memory_space<hbm>>, %arg6: memref<10240xi32, #tpu.memory_space<vmem>>, %arg7: memref<128xi32, #tpu.memory_space<vmem>>, %arg8: memref<128xi32, #tpu.memory_space<vmem>>, %arg9: memref<128xi32, #tpu.memory_space<vmem>>, %arg10: memref<128x128xf32, #tpu.memory_space<vmem>>, %arg11: memref<128x128xf32, #tpu.memory_space<vmem>>, %arg12: memref<10112x128xf32, #tpu.memory_space<vmem_shared>>, %arg13: memref<!tpu.dma_semaphore, #tpu.memory_space<semaphore_mem>>, %arg14: memref<!tpu.dma_semaphore, #tpu.memory_space<semaphore_mem>>, %arg15: memref<!tpu.dma_semaphore, #tpu.memory_space<semaphore_mem>>, %arg16: memref<!tpu.dma_semaphore, #tpu.memory_space<semaphore_mem>>, %arg17: memref<!tpu.dma_semaphore, #tpu.memory_space<semaphore_mem>>, %arg18: memref<!tpu.dma_semaphore, #tpu.memory_space<semaphore_mem>>) attributes {dimension_semantics = [#tpu.dimension_semantics<core_parallel>, #tpu.dimension_semantics<subcore_parallel>], iteration_bounds = array<i64: 2, 16>, scalar_prefetch = 0 : i64, scratch_operands = 13 : i64, tpu.core_type = #tpu.core_type<sc_vector_subcore>, window_params = [{transform_indices = #map}, {transform_indices = #map1}, {transform_indices = #map1}, {transform_indices = #map2}]} {
    %mul3A = arith.constant 2 : i32
    %mul3A_0 = arith.muli %arg1, %mul3A : i32
    %add3A = arith.addi %mul3A_0, %arg0 : i32
    %lt3A = arith.constant 24 : i32
    %lt3A_1 = arith.cmpi slt, %add3A, %lt3A : i32
    %jit3A = arith.constant 40 : i32
    %jit3A_2 = arith.constant 36 : i32
    %select_n3A = arith.select %lt3A_1, %jit3A, %jit3A_2 : i32
    %mul3A_3 = arith.constant 80 : i32
    %mul3A_4 = arith.muli %add3A, %mul3A_3 : i32
    %sub3A = arith.constant 24 : i32
    %sub3A_5 = arith.subi %add3A, %sub3A : i32
    %mul3A_6 = arith.constant 72 : i32
    %mul3A_7 = arith.muli %sub3A_5, %mul3A_6 : i32
    %add3A_8 = arith.constant 1920 : i32
    %add3A_9 = arith.addi %add3A_8, %mul3A_7 : i32
    %select_n3A_10 = arith.select %lt3A_1, %mul3A_4, %add3A_9 : i32
    %scan3A = arith.constant 0 : i32
    %scan3A_11 = arith.constant 0 : i32
    %scan3A_12 = arith.constant 128 : i32
    %scan3A_13 = arith.addi %scan3A_11, %scan3A_12 : i32
    %scan3A_14 = arith.constant 1 : i32
    scf.for %scan3A_88 = %scan3A_11 to %scan3A_13 step %scan3A_14  : i32 {
      %broadcast_in_dim3A = arith.constant 0.000000e+00 : f32
      %broadcast_in_dim3A_89 = vector.broadcast %broadcast_in_dim3A : f32 to vector<16xf32>
      %swap3A = arith.index_cast %scan3A_88 : i32 to index
      %swap3A_90 = arith.constant 0 : index
      %swap3A_91 = tpu.vector_load %arg10[%swap3A, %swap3A_90] {strides = array<i32>} : memref<128x128xf32, #tpu.memory_space<vmem>>, vector<1x16xf32>,
      %swap3A_92 = vector.shape_cast %swap3A_91 : vector<1x16xf32> to vector<16xf32>
      %swap3A_93 = vector.shape_cast %broadcast_in_dim3A_89 : vector<16xf32> to vector<1x16xf32>
      tpu.vector_store %arg10[%swap3A, %swap3A_90], %swap3A_93 {strides = array<i32>} : memref<128x128xf32, #tpu.memory_space<vmem>>, vector<1x16xf32>,
      %broadcast_in_dim3A_94 = arith.constant 0.000000e+00 : f32
      %broadcast_in_dim3A_95 = vector.broadcast %broadcast_in_dim3A_94 : f32 to vector<16xf32>
      %swap3A_96 = arith.index_cast %scan3A_88 : i32 to index
      %swap3A_97 = arith.constant 16 : index
      %swap3A_98 = tpu.vector_load %arg10[%swap3A_96, %swap3A_97] {strides = array<i32>} : memref<128x128xf32, #tpu.memory_space<vmem>>, vector<1x16xf32>,
      %swap3A_99 = vector.shape_cast %swap3A_98 : vector<1x16xf32> to vector<16xf32>
      %swap3A_100 = vector.shape_cast %broadcast_in_dim3A_95 : vector<16xf32> to vector<1x16xf32>
      tpu.vector_store %arg10[%swap3A_96, %swap3A_97], %swap3A_100 {strides = array<i32>} : memref<128x128xf32, #tpu.memory_space<vmem>>, vector<1x16xf32>,
      %broadcast_in_dim3A_101 = arith.constant 0.000000e+00 : f32
      %broadcast_in_dim3A_102 = vector.broadcast %broadcast_in_dim3A_101 : f32 to vector<16xf32>
      %swap3A_103 = arith.index_cast %scan3A_88 : i32 to index
      %swap3A_104 = arith.constant 32 : index
      %swap3A_105 = tpu.vector_load %arg10[%swap3A_103, %swap3A_104] {strides = array<i32>} : memref<128x128xf32, #tpu.memory_space<vmem>>, vector<1x16xf32>,
      %swap3A_106 = vector.shape_cast %swap3A_105 : vector<1x16xf32> to vector<16xf32>
      %swap3A_107 = vector.shape_cast %broadcast_in_dim3A_102 : vector<16xf32> to vector<1x16xf32>
      tpu.vector_store %arg10[%swap3A_103, %swap3A_104], %swap3A_107 {strides = array<i32>} : memref<128x128xf32, #tpu.memory_space<vmem>>, vector<1x16xf32>,
      %broadcast_in_dim3A_108 = arith.constant 0.000000e+00 : f32
      %broadcast_in_dim3A_109 = vector.broadcast %broadcast_in_dim3A_108 : f32 to vector<16xf32>
      %swap3A_110 = arith.index_cast %scan3A_88 : i32 to index
      %swap3A_111 = arith.constant 48 : index
      %swap3A_112 = tpu.vector_load %arg10[%swap3A_110, %swap3A_111] {strides = array<i32>} : memref<128x128xf32, #tpu.memory_space<vmem>>, vector<1x16xf32>,
      %swap3A_113 = vector.shape_cast %swap3A_112 : vector<1x16xf32> to vector<16xf32>
      %swap3A_114 = vector.shape_cast %broadcast_in_dim3A_109 : vector<16xf32> to vector<1x16xf32>
      tpu.vector_store %arg10[%swap3A_110, %swap3A_111], %swap3A_114 {strides = array<i32>} : memref<128x128xf32, #tpu.memory_space<vmem>>, vector<1x16xf32>,
      %broadcast_in_dim3A_115 = arith.constant 0.000000e+00 : f32
      %broadcast_in_dim3A_116 = vector.broadcast %broadcast_in_dim3A_115 : f32 to vector<16xf32>
      %swap3A_117 = arith.index_cast %scan3A_88 : i32 to index
      %swap3A_118 = arith.constant 64 : index
      %swap3A_119 = tpu.vector_load %arg10[%swap3A_117, %swap3A_118] {strides = array<i32>} : memref<128x128xf32, #tpu.memory_space<vmem>>, vector<1x16xf32>,
      %swap3A_120 = vector.shape_cast %swap3A_119 : vector<1x16xf32> to vector<16xf32>
      %swap3A_121 = vector.shape_cast %broadcast_in_dim3A_116 : vector<16xf32> to vector<1x16xf32>
      tpu.vector_store %arg10[%swap3A_117, %swap3A_118], %swap3A_121 {strides = array<i32>} : memref<128x128xf32, #tpu.memory_space<vmem>>, vector<1x16xf32>,
      %broadcast_in_dim3A_122 = arith.constant 0.000000e+00 : f32
      %broadcast_in_dim3A_123 = vector.broadcast %broadcast_in_dim3A_122 : f32 to vector<16xf32>
      %swap3A_124 = arith.index_cast %scan3A_88 : i32 to index
      %swap3A_125 = arith.constant 80 : index
      %swap3A_126 = tpu.vector_load %arg10[%swap3A_124, %swap3A_125] {strides = array<i32>} : memref<128x128xf32, #tpu.memory_space<vmem>>, vector<1x16xf32>,
      %swap3A_127 = vector.shape_cast %swap3A_126 : vector<1x16xf32> to vector<16xf32>
      %swap3A_128 = vector.shape_cast %broadcast_in_dim3A_123 : vector<16xf32> to vector<1x16xf32>
      tpu.vector_store %arg10[%swap3A_124, %swap3A_125], %swap3A_128 {strides = array<i32>} : memref<128x128xf32, #tpu.memory_space<vmem>>, vector<1x16xf32>,
      %broadcast_in_dim3A_129 = arith.constant 0.000000e+00 : f32
      %broadcast_in_dim3A_130 = vector.broadcast %broadcast_in_dim3A_129 : f32 to vector<16xf32>
      %swap3A_131 = arith.index_cast %scan3A_88 : i32 to index
      %swap3A_132 = arith.constant 96 : index
      %swap3A_133 = tpu.vector_load %arg10[%swap3A_131, %swap3A_132] {strides = array<i32>} : memref<128x128xf32, #tpu.memory_space<vmem>>, vector<1x16xf32>,
      %swap3A_134 = vector.shape_cast %swap3A_133 : vector<1x16xf32> to vector<16xf32>
      %swap3A_135 = vector.shape_cast %broadcast_in_dim3A_130 : vector<16xf32> to vector<1x16xf32>
      tpu.vector_store %arg10[%swap3A_131, %swap3A_132], %swap3A_135 {strides = array<i32>} : memref<128x128xf32, #tpu.memory_space<vmem>>, vector<1x16xf32>,
      %broadcast_in_dim3A_136 = arith.constant 0.000000e+00 : f32
      %broadcast_in_dim3A_137 = vector.broadcast %broadcast_in_dim3A_136 : f32 to vector<16xf32>
      %swap3A_138 = arith.index_cast %scan3A_88 : i32 to index
      %swap3A_139 = arith.constant 112 : index
      %swap3A_140 = tpu.vector_load %arg10[%swap3A_138, %swap3A_139] {strides = array<i32>} : memref<128x128xf32, #tpu.memory_space<vmem>>, vector<1x16xf32>,
      %swap3A_141 = vector.shape_cast %swap3A_140 : vector<1x16xf32> to vector<16xf32>
      %swap3A_142 = vector.shape_cast %broadcast_in_dim3A_137 : vector<16xf32> to vector<1x16xf32>
      tpu.vector_store %arg10[%swap3A_138, %swap3A_139], %swap3A_142 {strides = array<i32>} : memref<128x128xf32, #tpu.memory_space<vmem>>, vector<1x16xf32>,
    }
    %scan3A_15 = arith.constant 128 : i32
    %mul3A_16 = arith.constant 632 : i32
    %mul3A_17 = arith.muli %arg1, %mul3A_16 : i32
    %add3A_18 = arith.constant 0 : i32
    %add3A_19 = arith.addi %mul3A_17, %add3A_18 : i32
    "tpu.region"() ({
      %run_scoped3A = tpu.sem_alloc : memref<!tpu.dma_semaphore, #tpu.memory_space<semaphore_mem>>
      %dma_start3A_88 = arith.constant 0 : i32
      %dma_start3A_89 = tpu.memref_slice %arg12[%add3A_19, %dma_start3A_88] : memref<10112x128xf32, #tpu.memory_space<vmem_shared>> -> memref<128x128xf32, #tpu.memory_space<vmem_shared>>
      %dma_start3A_90 = arith.constant 0 : i32
      %dma_start3A_91 = tpu.memref_slice %arg12[%add3A_19, %dma_start3A_90] : memref<10112x128xf32, #tpu.memory_space<vmem_shared>> -> memref<128x128xf32, #tpu.memory_space<vmem_shared>>
      tpu.enqueue_dma source(%arg10 : memref<128x128xf32, #tpu.memory_space<vmem>>) target(%dma_start3A_91 : memref<128x128xf32, #tpu.memory_space<vmem_shared>>) target_semaphore(%run_scoped3A : memref<!tpu.dma_semaphore, #tpu.memory_space<semaphore_mem>>)
      %dma_wait3A_92 = arith.constant 0 : i32
      %dma_wait3A_93 = tpu.memref_slice %arg12[%add3A_19, %dma_wait3A_92] : memref<10112x128xf32, #tpu.memory_space<vmem_shared>> -> memref<128x128xf32, #tpu.memory_space<vmem_shared>>
      %dma_wait3A_94 = arith.constant 0 : i32
      %dma_wait3A_95 = tpu.memref_slice %arg12[%add3A_19, %dma_wait3A_94] : memref<10112x128xf32, #tpu.memory_space<vmem_shared>> -> memref<128x128xf32, #tpu.memory_space<vmem_shared>>
      tpu.wait_dma2 semaphore(%run_scoped3A : memref<!tpu.dma_semaphore, #tpu.memory_space<semaphore_mem>>) src(%arg10 : memref<128x128xf32, #tpu.memory_space<vmem>>) dst(%dma_wait3A_95 : memref<128x128xf32, #tpu.memory_space<vmem_shared>>)
      tpu.yield
    }) : () -> ()
    %mul3A_20 = arith.constant 632 : i32
    %mul3A_21 = arith.muli %arg1, %mul3A_20 : i32
    %add3A_22 = arith.constant 128 : i32
    %add3A_23 = arith.addi %mul3A_21, %add3A_22 : i32
    "tpu.region"() ({
      %run_scoped3A = tpu.sem_alloc : memref<!tpu.dma_semaphore, #tpu.memory_space<semaphore_mem>>
      %dma_start3A_88 = arith.constant 0 : i32
      %dma_start3A_89 = tpu.memref_slice %arg12[%add3A_23, %dma_start3A_88] : memref<10112x128xf32, #tpu.memory_space<vmem_shared>> -> memref<128x128xf32, #tpu.memory_space<vmem_shared>>
      %dma_start3A_90 = arith.constant 0 : i32
      %dma_start3A_91 = tpu.memref_slice %arg12[%add3A_23, %dma_start3A_90] : memref<10112x128xf32, #tpu.memory_space<vmem_shared>> -> memref<128x128xf32, #tpu.memory_space<vmem_shared>>
      tpu.enqueue_dma source(%arg10 : memref<128x128xf32, #tpu.memory_space<vmem>>) target(%dma_start3A_91 : memref<128x128xf32, #tpu.memory_space<vmem_shared>>) target_semaphore(%run_scoped3A : memref<!tpu.dma_semaphore, #tpu.memory_space<semaphore_mem>>)
      %dma_wait3A_92 = arith.constant 0 : i32
      %dma_wait3A_93 = tpu.memref_slice %arg12[%add3A_23, %dma_wait3A_92] : memref<10112x128xf32, #tpu.memory_space<vmem_shared>> -> memref<128x128xf32, #tpu.memory_space<vmem_shared>>
      %dma_wait3A_94 = arith.constant 0 : i32
      %dma_wait3A_95 = tpu.memref_slice %arg12[%add3A_23, %dma_wait3A_94] : memref<10112x128xf32, #tpu.memory_space<vmem_shared>> -> memref<128x128xf32, #tpu.memory_space<vmem_shared>>
      tpu.wait_dma2 semaphore(%run_scoped3A : memref<!tpu.dma_semaphore, #tpu.memory_space<semaphore_mem>>) src(%arg10 : memref<128x128xf32, #tpu.memory_space<vmem>>) dst(%dma_wait3A_95 : memref<128x128xf32, #tpu.memory_space<vmem_shared>>)
      tpu.yield
    }) : () -> ()
    %mul3A_24 = arith.constant 632 : i32
    %mul3A_25 = arith.muli %arg1, %mul3A_24 : i32
    %add3A_26 = arith.constant 256 : i32
    %add3A_27 = arith.addi %mul3A_25, %add3A_26 : i32
    "tpu.region"() ({
      %run_scoped3A = tpu.sem_alloc : memref<!tpu.dma_semaphore, #tpu.memory_space<semaphore_mem>>
      %dma_start3A_88 = arith.constant 0 : i32
      %dma_start3A_89 = tpu.memref_slice %arg12[%add3A_27, %dma_start3A_88] : memref<10112x128xf32, #tpu.memory_space<vmem_shared>> -> memref<128x128xf32, #tpu.memory_space<vmem_shared>>
      %dma_start3A_90 = arith.constant 0 : i32
      %dma_start3A_91 = tpu.memref_slice %arg12[%add3A_27, %dma_start3A_90] : memref<10112x128xf32, #tpu.memory_space<vmem_shared>> -> memref<128x128xf32, #tpu.memory_space<vmem_shared>>
      tpu.enqueue_dma source(%arg10 : memref<128x128xf32, #tpu.memory_space<vmem>>) target(%dma_start3A_91 : memref<128x128xf32, #tpu.memory_space<vmem_shared>>) target_semaphore(%run_scoped3A : memref<!tpu.dma_semaphore, #tpu.memory_space<semaphore_mem>>)
      %dma_wait3A_92 = arith.constant 0 : i32
      %dma_wait3A_93 = tpu.memref_slice %arg12[%add3A_27, %dma_wait3A_92] : memref<10112x128xf32, #tpu.memory_space<vmem_shared>> -> memref<128x128xf32, #tpu.memory_space<vmem_shared>>
      %dma_wait3A_94 = arith.constant 0 : i32
      %dma_wait3A_95 = tpu.memref_slice %arg12[%add3A_27, %dma_wait3A_94] : memref<10112x128xf32, #tpu.memory_space<vmem_shared>> -> memref<128x128xf32, #tpu.memory_space<vmem_shared>>
      tpu.wait_dma2 semaphore(%run_scoped3A : memref<!tpu.dma_semaphore, #tpu.memory_space<semaphore_mem>>) src(%arg10 : memref<128x128xf32, #tpu.memory_space<vmem>>) dst(%dma_wait3A_95 : memref<128x128xf32, #tpu.memory_space<vmem_shared>>)
      tpu.yield
    }) : () -> ()
    %mul3A_28 = arith.constant 632 : i32
    %mul3A_29 = arith.muli %arg1, %mul3A_28 : i32
    %add3A_30 = arith.constant 384 : i32
    %add3A_31 = arith.addi %mul3A_29, %add3A_30 : i32
    "tpu.region"() ({
      %run_scoped3A = tpu.sem_alloc : memref<!tpu.dma_semaphore, #tpu.memory_space<semaphore_mem>>
      %dma_start3A_88 = arith.constant 0 : i32
      %dma_start3A_89 = tpu.memref_slice %arg12[%add3A_31, %dma_start3A_88] : memref<10112x128xf32, #tpu.memory_space<vmem_shared>> -> memref<128x128xf32, #tpu.memory_space<vmem_shared>>
      %dma_start3A_90 = arith.constant 0 : i32
      %dma_start3A_91 = tpu.memref_slice %arg12[%add3A_31, %dma_start3A_90] : memref<10112x128xf32, #tpu.memory_space<vmem_shared>> -> memref<128x128xf32, #tpu.memory_space<vmem_shared>>
      tpu.enqueue_dma source(%arg10 : memref<128x128xf32, #tpu.memory_space<vmem>>) target(%dma_start3A_91 : memref<128x128xf32, #tpu.memory_space<vmem_shared>>) target_semaphore(%run_scoped3A : memref<!tpu.dma_semaphore, #tpu.memory_space<semaphore_mem>>)
      %dma_wait3A_92 = arith.constant 0 : i32
      %dma_wait3A_93 = tpu.memref_slice %arg12[%add3A_31, %dma_wait3A_92] : memref<10112x128xf32, #tpu.memory_space<vmem_shared>> -> memref<128x128xf32, #tpu.memory_space<vmem_shared>>
      %dma_wait3A_94 = arith.constant 0 : i32
      %dma_wait3A_95 = tpu.memref_slice %arg12[%add3A_31, %dma_wait3A_94] : memref<10112x128xf32, #tpu.memory_space<vmem_shared>> -> memref<128x128xf32, #tpu.memory_space<vmem_shared>>
      tpu.wait_dma2 semaphore(%run_scoped3A : memref<!tpu.dma_semaphore, #tpu.memory_space<semaphore_mem>>) src(%arg10 : memref<128x128xf32, #tpu.memory_space<vmem>>) dst(%dma_wait3A_95 : memref<128x128xf32, #tpu.memory_space<vmem_shared>>)
      tpu.yield
    }) : () -> ()
    %mul3A_32 = arith.constant 632 : i32
    %mul3A_33 = arith.muli %arg1, %mul3A_32 : i32
    %add3A_34 = arith.constant 632 : i32
    %add3A_35 = arith.addi %mul3A_33, %add3A_34 : i32
    %sub3A_36 = arith.constant 120 : i32
    %sub3A_37 = arith.subi %add3A_35, %sub3A_36 : i32
    "tpu.region"() ({
      %run_scoped3A = tpu.sem_alloc : memref<!tpu.dma_semaphore, #tpu.memory_space<semaphore_mem>>
      %dma_start3A_88 = arith.constant 0 : i32
      %dma_start3A_89 = arith.constant 0 : i32
      %dma_start3A_90 = tpu.memref_slice %arg10[%dma_start3A_88, %dma_start3A_89] : memref<128x128xf32, #tpu.memory_space<vmem>> -> memref<120x128xf32, #tpu.memory_space<vmem>>
      %dma_start3A_91 = arith.constant 0 : i32
      %dma_start3A_92 = tpu.memref_slice %arg12[%sub3A_37, %dma_start3A_91] : memref<10112x128xf32, #tpu.memory_space<vmem_shared>> -> memref<120x128xf32, #tpu.memory_space<vmem_shared>>
      %dma_start3A_93 = arith.constant 0 : i32
      %dma_start3A_94 = tpu.memref_slice %arg12[%sub3A_37, %dma_start3A_93] : memref<10112x128xf32, #tpu.memory_space<vmem_shared>> -> memref<120x128xf32, #tpu.memory_space<vmem_shared>>
      %dma_start3A_95 = arith.constant 0 : i32
      %dma_start3A_96 = arith.constant 0 : i32
      %dma_start3A_97 = tpu.memref_slice %arg10[%dma_start3A_95, %dma_start3A_96] : memref<128x128xf32, #tpu.memory_space<vmem>> -> memref<120x128xf32, #tpu.memory_space<vmem>>
      tpu.enqueue_dma source(%dma_start3A_97 : memref<120x128xf32, #tpu.memory_space<vmem>>) target(%dma_start3A_94 : memref<120x128xf32, #tpu.memory_space<vmem_shared>>) target_semaphore(%run_scoped3A : memref<!tpu.dma_semaphore, #tpu.memory_space<semaphore_mem>>)
      %dma_wait3A_98 = arith.constant 0 : i32
      %dma_wait3A_99 = arith.constant 0 : i32
      %dma_wait3A_100 = tpu.memref_slice %arg10[%dma_wait3A_98, %dma_wait3A_99] : memref<128x128xf32, #tpu.memory_space<vmem>> -> memref<120x128xf32, #tpu.memory_space<vmem>>
      %dma_wait3A_101 = arith.constant 0 : i32
      %dma_wait3A_102 = tpu.memref_slice %arg12[%sub3A_37, %dma_wait3A_101] : memref<10112x128xf32, #tpu.memory_space<vmem_shared>> -> memref<120x128xf32, #tpu.memory_space<vmem_shared>>
      %dma_wait3A_103 = arith.constant 0 : i32
      %dma_wait3A_104 = tpu.memref_slice %arg12[%sub3A_37, %dma_wait3A_103] : memref<10112x128xf32, #tpu.memory_space<vmem_shared>> -> memref<120x128xf32, #tpu.memory_space<vmem_shared>>
      %dma_wait3A_105 = arith.constant 0 : i32
      %dma_wait3A_106 = arith.constant 0 : i32
      %dma_wait3A_107 = tpu.memref_slice %arg10[%dma_wait3A_105, %dma_wait3A_106] : memref<128x128xf32, #tpu.memory_space<vmem>> -> memref<120x128xf32, #tpu.memory_space<vmem>>
      tpu.wait_dma2 semaphore(%run_scoped3A : memref<!tpu.dma_semaphore, #tpu.memory_space<semaphore_mem>>) src(%dma_wait3A_107 : memref<120x128xf32, #tpu.memory_space<vmem>>) dst(%dma_wait3A_104 : memref<120x128xf32, #tpu.memory_space<vmem_shared>>)
      tpu.yield
    }) : () -> ()
    %convert_element_type3A = arith.extui %lt3A_1 : i1 to i32
    %cond3A = arith.constant 0 : i32
    %cond3A_38 = arith.cmpi ne, %convert_element_type3A, %cond3A : i32
    scf.if %cond3A_38 {
      %mul3A_88 = arith.constant 128 : i32
      %mul3A_89 = arith.muli %select_n3A_10, %mul3A_88 : i32
      "tpu.region"() ({
        %run_scoped3A = tpu.sem_alloc : memref<!tpu.dma_semaphore, #tpu.memory_space<semaphore_mem>>
        %dma_start3A_90 = tpu.memref_slice %arg4[%mul3A_89] : memref<320000xi32, #tpu.memory_space<hbm>> -> memref<10240xi32, #tpu.memory_space<hbm>>
        %dma_start3A_91 = tpu.memref_slice %arg4[%mul3A_89] : memref<320000xi32, #tpu.memory_space<hbm>> -> memref<10240xi32, #tpu.memory_space<hbm>>
        tpu.enqueue_dma source(%dma_start3A_91 : memref<10240xi32, #tpu.memory_space<hbm>>) target(%arg6 : memref<10240xi32, #tpu.memory_space<vmem>>) target_semaphore(%run_scoped3A : memref<!tpu.dma_semaphore, #tpu.memory_space<semaphore_mem>>)
        %dma_wait3A_92 = tpu.memref_slice %arg4[%mul3A_89] : memref<320000xi32, #tpu.memory_space<hbm>> -> memref<10240xi32, #tpu.memory_space<hbm>>
        %dma_wait3A_93 = tpu.memref_slice %arg4[%mul3A_89] : memref<320000xi32, #tpu.memory_space<hbm>> -> memref<10240xi32, #tpu.memory_space<hbm>>
        tpu.wait_dma2 semaphore(%run_scoped3A : memref<!tpu.dma_semaphore, #tpu.memory_space<semaphore_mem>>) src(%dma_wait3A_93 : memref<10240xi32, #tpu.memory_space<hbm>>) dst(%arg6 : memref<10240xi32, #tpu.memory_space<vmem>>)
        tpu.yield
      }) : () -> ()
    } else {
    }
    %not3A = arith.constant true
    %not3A_39 = arith.xori %lt3A_1, %not3A : i1
    %convert_element_type3A_40 = arith.extui %not3A_39 : i1 to i32
    %cond3A_41 = arith.constant 0 : i32
    %cond3A_42 = arith.cmpi ne, %convert_element_type3A_40, %cond3A_41 : i32
    scf.if %cond3A_42 {
      %mul3A_88 = arith.constant 128 : i32
      %mul3A_89 = arith.muli %select_n3A_10, %mul3A_88 : i32
      "tpu.region"() ({
        %run_scoped3A = tpu.sem_alloc : memref<!tpu.dma_semaphore, #tpu.memory_space<semaphore_mem>>
        %dma_start3A_90 = arith.constant 0 : i32
        %dma_start3A_91 = tpu.memref_slice %arg6[%dma_start3A_90] : memref<10240xi32, #tpu.memory_space<vmem>> -> memref<9216xi32, #tpu.memory_space<vmem>>
        %dma_start3A_92 = tpu.memref_slice %arg4[%mul3A_89] : memref<320000xi32, #tpu.memory_space<hbm>> -> memref<9216xi32, #tpu.memory_space<hbm>>
        %dma_start3A_93 = arith.constant 0 : i32
        %dma_start3A_94 = tpu.memref_slice %arg6[%dma_start3A_93] : memref<10240xi32, #tpu.memory_space<vmem>> -> memref<9216xi32, #tpu.memory_space<vmem>>
        %dma_start3A_95 = tpu.memref_slice %arg4[%mul3A_89] : memref<320000xi32, #tpu.memory_space<hbm>> -> memref<9216xi32, #tpu.memory_space<hbm>>
        tpu.enqueue_dma source(%dma_start3A_95 : memref<9216xi32, #tpu.memory_space<hbm>>) target(%dma_start3A_94 : memref<9216xi32, #tpu.memory_space<vmem>>) target_semaphore(%run_scoped3A : memref<!tpu.dma_semaphore, #tpu.memory_space<semaphore_mem>>)
        %dma_wait3A_96 = arith.constant 0 : i32
        %dma_wait3A_97 = tpu.memref_slice %arg6[%dma_wait3A_96] : memref<10240xi32, #tpu.memory_space<vmem>> -> memref<9216xi32, #tpu.memory_space<vmem>>
        %dma_wait3A_98 = tpu.memref_slice %arg4[%mul3A_89] : memref<320000xi32, #tpu.memory_space<hbm>> -> memref<9216xi32, #tpu.memory_space<hbm>>
        %dma_wait3A_99 = arith.constant 0 : i32
        %dma_wait3A_100 = tpu.memref_slice %arg6[%dma_wait3A_99] : memref<10240xi32, #tpu.memory_space<vmem>> -> memref<9216xi32, #tpu.memory_space<vmem>>
        %dma_wait3A_101 = tpu.memref_slice %arg4[%mul3A_89] : memref<320000xi32, #tpu.memory_space<hbm>> -> memref<9216xi32, #tpu.memory_space<hbm>>
        tpu.wait_dma2 semaphore(%run_scoped3A : memref<!tpu.dma_semaphore, #tpu.memory_space<semaphore_mem>>) src(%dma_wait3A_101 : memref<9216xi32, #tpu.memory_space<hbm>>) dst(%dma_wait3A_100 : memref<9216xi32, #tpu.memory_space<vmem>>)
        tpu.yield
      }) : () -> ()
    } else {
    }
    %barrier3A = arith.constant 0 : index
    tpu.barrier barrier_id(%barrier3A)
    %add3A_43 = arith.constant 0 : i32
    %add3A_44 = arith.addi %select_n3A_10, %add3A_43 : i32
    %mul3A_45 = arith.constant 128 : i32
    %mul3A_46 = arith.muli %add3A_44, %mul3A_45 : i32
    %dma_start3A = tpu.memref_slice %arg3[%mul3A_46] : memref<320000xi32, #tpu.memory_space<hbm>> -> memref<128xi32, #tpu.memory_space<hbm>>
    %dma_start3A_47 = tpu.memref_slice %arg3[%mul3A_46] : memref<320000xi32, #tpu.memory_space<hbm>> -> memref<128xi32, #tpu.memory_space<hbm>>
    tpu.enqueue_dma source(%dma_start3A_47 : memref<128xi32, #tpu.memory_space<hbm>>) target(%arg7 : memref<128xi32, #tpu.memory_space<vmem>>) target_semaphore(%arg17 : memref<!tpu.dma_semaphore, #tpu.memory_space<semaphore_mem>>)
    %add3A_48 = arith.constant 1 : i32
    %add3A_49 = arith.addi %select_n3A_10, %add3A_48 : i32
    %mul3A_50 = arith.constant 128 : i32
    %mul3A_51 = arith.muli %add3A_49, %mul3A_50 : i32
    %dma_start3A_52 = tpu.memref_slice %arg3[%mul3A_51] : memref<320000xi32, #tpu.memory_space<hbm>> -> memref<128xi32, #tpu.memory_space<hbm>>
    %dma_start3A_53 = tpu.memref_slice %arg3[%mul3A_51] : memref<320000xi32, #tpu.memory_space<hbm>> -> memref<128xi32, #tpu.memory_space<hbm>>
    tpu.enqueue_dma source(%dma_start3A_53 : memref<128xi32, #tpu.memory_space<hbm>>) target(%arg8 : memref<128xi32, #tpu.memory_space<vmem>>) target_semaphore(%arg18 : memref<!tpu.dma_semaphore, #tpu.memory_space<semaphore_mem>>)
    %dma_start3A_54 = arith.constant 0 : i32
    %dma_start3A_55 = arith.constant 0 : i32
    %dma_start3A_56 = tpu.memref_slice %arg10[%dma_start3A_54, %dma_start3A_55] : memref<128x128xf32, #tpu.memory_space<vmem>> -> memref<64x128xf32, #tpu.memory_space<vmem>>
    %dma_start3A_57 = arith.constant 0 : i32
    %dma_start3A_58 = tpu.memref_slice %arg6[%dma_start3A_57] : memref<10240xi32, #tpu.memory_space<vmem>> -> memref<64xi32, #tpu.memory_space<vmem>>
    %dma_start3A_59 = arith.constant 0 : i32
    %dma_start3A_60 = arith.constant 0 : i32
    %dma_start3A_61 = tpu.memref_slice %arg2[%dma_start3A_59, %dma_start3A_60] : memref<10000x128xf32, #tpu.memory_space<hbm>> -> memref<10000x128xf32, #tpu.memory_space<hbm>>
    tpu.enqueue_indirect_dma source(%dma_start3A_61 : memref<10000x128xf32, #tpu.memory_space<hbm>>) target(%dma_start3A_56 : memref<64x128xf32, #tpu.memory_space<vmem>>) offsets(%dma_start3A_58 : memref<64xi32, #tpu.memory_space<vmem>>) semaphore(%arg13 : memref<!tpu.dma_semaphore, #tpu.memory_space<semaphore_mem>>)
    %dma_start3A_62 = arith.constant 64 : i32
    %dma_start3A_63 = arith.constant 0 : i32
    %dma_start3A_64 = tpu.memref_slice %arg10[%dma_start3A_62, %dma_start3A_63] : memref<128x128xf32, #tpu.memory_space<vmem>> -> memref<64x128xf32, #tpu.memory_space<vmem>>
    %dma_start3A_65 = arith.constant 64 : i32
    %dma_start3A_66 = tpu.memref_slice %arg6[%dma_start3A_65] : memref<10240xi32, #tpu.memory_space<vmem>> -> memref<64xi32, #tpu.memory_space<vmem>>
    %dma_start3A_67 = arith.constant 0 : i32
    %dma_start3A_68 = arith.constant 0 : i32
    %dma_start3A_69 = tpu.memref_slice %arg2[%dma_start3A_67, %dma_start3A_68] : memref<10000x128xf32, #tpu.memory_space<hbm>> -> memref<10000x128xf32, #tpu.memory_space<hbm>>
    tpu.enqueue_indirect_dma source(%dma_start3A_69 : memref<10000x128xf32, #tpu.memory_space<hbm>>) target(%dma_start3A_64 : memref<64x128xf32, #tpu.memory_space<vmem>>) offsets(%dma_start3A_66 : memref<64xi32, #tpu.memory_space<vmem>>) semaphore(%arg13 : memref<!tpu.dma_semaphore, #tpu.memory_space<semaphore_mem>>)
    %scan3A_70 = arith.constant 0 : i32
    %scan3A_71 = arith.constant 0 : i32
    %scan3A_72 = arith.constant 40 : i32
    %scan3A_73 = arith.addi %scan3A_71, %scan3A_72 : i32
    %scan3A_74 = arith.constant 1 : i32
    scf.for %scan3A_88 = %scan3A_71 to %scan3A_73 step %scan3A_74  : i32 {
      %mul3A_89 = arith.constant 2 : i32
      %mul3A_90 = arith.muli %mul3A_89, %scan3A_88 : i32
      %add3A_91 = arith.constant 1 : i32
      %add3A_92 = arith.addi %mul3A_90, %add3A_91 : i32
      %lt3A_93 = arith.cmpi slt, %scan3A_88, %select_n3A : i32
      %convert_element_type3A_94 = arith.extui %lt3A_93 : i1 to i32
      %cond3A_95 = arith.constant 0 : i32
      %cond3A_96 = arith.cmpi ne, %convert_element_type3A_94, %cond3A_95 : i32
      scf.if %cond3A_96 {
        %mul3A_97 = arith.constant 128 : i32
        %mul3A_98 = arith.muli %mul3A_90, %mul3A_97 : i32
        %dma_wait3A_99 = arith.constant 0 : i32
        %dma_wait3A_100 = arith.constant 0 : i32
        %dma_wait3A_101 = tpu.memref_slice %arg10[%dma_wait3A_99, %dma_wait3A_100] : memref<128x128xf32, #tpu.memory_space<vmem>> -> memref<64x128xf32, #tpu.memory_space<vmem>>
        %dma_wait3A_102 = tpu.memref_slice %arg6[%mul3A_98] : memref<10240xi32, #tpu.memory_space<vmem>> -> memref<64xi32, #tpu.memory_space<vmem>>
        %dma_wait3A_103 = arith.constant 0 : i32
        %dma_wait3A_104 = arith.constant 0 : i32
        %dma_wait3A_105 = tpu.memref_slice %arg2[%dma_wait3A_103, %dma_wait3A_104] : memref<10000x128xf32, #tpu.memory_space<hbm>> -> memref<10000x128xf32, #tpu.memory_space<hbm>>
        tpu.wait_indirect_dma semaphore(%arg13 : memref<!tpu.dma_semaphore, #tpu.memory_space<semaphore_mem>>) src(%dma_wait3A_105 : memref<10000x128xf32, #tpu.memory_space<hbm>>) dst(%dma_wait3A_101 : memref<64x128xf32, #tpu.memory_space<vmem>>)
        %mul3A_106 = arith.constant 128 : i32
        %mul3A_107 = arith.muli %mul3A_90, %mul3A_106 : i32
        %add3A_108 = arith.constant 64 : i32
        %add3A_109 = arith.addi %mul3A_107, %add3A_108 : i32
        %dma_wait3A_110 = arith.constant 64 : i32
        %dma_wait3A_111 = arith.constant 0 : i32
        %dma_wait3A_112 = tpu.memref_slice %arg10[%dma_wait3A_110, %dma_wait3A_111] : memref<128x128xf32, #tpu.memory_space<vmem>> -> memref<64x128xf32, #tpu.memory_space<vmem>>
        %dma_wait3A_113 = tpu.memref_slice %arg6[%add3A_109] : memref<10240xi32, #tpu.memory_space<vmem>> -> memref<64xi32, #tpu.memory_space<vmem>>
        %dma_wait3A_114 = arith.constant 0 : i32
        %dma_wait3A_115 = arith.constant 0 : i32
        %dma_wait3A_116 = tpu.memref_slice %arg2[%dma_wait3A_114, %dma_wait3A_115] : memref<10000x128xf32, #tpu.memory_space<hbm>> -> memref<10000x128xf32, #tpu.memory_space<hbm>>
        tpu.wait_indirect_dma semaphore(%arg13 : memref<!tpu.dma_semaphore, #tpu.memory_space<semaphore_mem>>) src(%dma_wait3A_116 : memref<10000x128xf32, #tpu.memory_space<hbm>>) dst(%dma_wait3A_112 : memref<64x128xf32, #tpu.memory_space<vmem>>)
        %gt3A = arith.constant 0 : i32
        %gt3A_117 = arith.cmpi sgt, %scan3A_88, %gt3A : i32
        %convert_element_type3A_118 = arith.extui %gt3A_117 : i1 to i32
        %cond3A_119 = arith.constant 0 : i32
        %cond3A_120 = arith.cmpi ne, %convert_element_type3A_118, %cond3A_119 : i32
        scf.if %cond3A_120 {
          %dma_wait3A_192 = arith.constant 0 : i32
          %dma_wait3A_193 = arith.constant 0 : i32
          %dma_wait3A_194 = tpu.memref_slice %arg12[%dma_wait3A_192, %dma_wait3A_193] : memref<10112x128xf32, #tpu.memory_space<vmem_shared>> -> memref<10112x128xf32, #tpu.memory_space<vmem_shared>>
          tpu.wait_indirect_dma semaphore(%arg16 : memref<!tpu.dma_semaphore, #tpu.memory_space<semaphore_mem>>) src(%arg11 : memref<128x128xf32, #tpu.memory_space<vmem>>) dst(%dma_wait3A_194 : memref<10112x128xf32, #tpu.memory_space<vmem_shared>>)
        } else {
        }
        %mul3A_121 = arith.constant 128 : i32
        %mul3A_122 = arith.muli %add3A_92, %mul3A_121 : i32
        %dma_start3A_123 = arith.constant 0 : i32
        %dma_start3A_124 = arith.constant 0 : i32
        %dma_start3A_125 = tpu.memref_slice %arg11[%dma_start3A_123, %dma_start3A_124] : memref<128x128xf32, #tpu.memory_space<vmem>> -> memref<64x128xf32, #tpu.memory_space<vmem>>
        %dma_start3A_126 = tpu.memref_slice %arg6[%mul3A_122] : memref<10240xi32, #tpu.memory_space<vmem>> -> memref<64xi32, #tpu.memory_space<vmem>>
        %dma_start3A_127 = arith.constant 0 : i32
        %dma_start3A_128 = arith.constant 0 : i32
        %dma_start3A_129 = tpu.memref_slice %arg2[%dma_start3A_127, %dma_start3A_128] : memref<10000x128xf32, #tpu.memory_space<hbm>> -> memref<10000x128xf32, #tpu.memory_space<hbm>>
        tpu.enqueue_indirect_dma source(%dma_start3A_129 : memref<10000x128xf32, #tpu.memory_space<hbm>>) target(%dma_start3A_125 : memref<64x128xf32, #tpu.memory_space<vmem>>) offsets(%dma_start3A_126 : memref<64xi32, #tpu.memory_space<vmem>>) semaphore(%arg14 : memref<!tpu.dma_semaphore, #tpu.memory_space<semaphore_mem>>)
        %mul3A_130 = arith.constant 128 : i32
        %mul3A_131 = arith.muli %add3A_92, %mul3A_130 : i32
        %add3A_132 = arith.constant 64 : i32
        %add3A_133 = arith.addi %mul3A_131, %add3A_132 : i32
        %dma_start3A_134 = arith.constant 64 : i32
        %dma_start3A_135 = arith.constant 0 : i32
        %dma_start3A_136 = tpu.memref_slice %arg11[%dma_start3A_134, %dma_start3A_135] : memref<128x128xf32, #tpu.memory_space<vmem>> -> memref<64x128xf32, #tpu.memory_space<vmem>>
        %dma_start3A_137 = tpu.memref_slice %arg6[%add3A_133] : memref<10240xi32, #tpu.memory_space<vmem>> -> memref<64xi32, #tpu.memory_space<vmem>>
        %dma_start3A_138 = arith.constant 0 : i32
        %dma_start3A_139 = arith.constant 0 : i32
        %dma_start3A_140 = tpu.memref_slice %arg2[%dma_start3A_138, %dma_start3A_139] : memref<10000x128xf32, #tpu.memory_space<hbm>> -> memref<10000x128xf32, #tpu.memory_space<hbm>>
        tpu.enqueue_indirect_dma source(%dma_start3A_140 : memref<10000x128xf32, #tpu.memory_space<hbm>>) target(%dma_start3A_136 : memref<64x128xf32, #tpu.memory_space<vmem>>) offsets(%dma_start3A_137 : memref<64xi32, #tpu.memory_space<vmem>>) semaphore(%arg14 : memref<!tpu.dma_semaphore, #tpu.memory_space<semaphore_mem>>)
        %add3A_141 = arith.addi %select_n3A_10, %mul3A_90 : i32
        %mul3A_142 = arith.constant 128 : i32
        %mul3A_143 = arith.muli %add3A_141, %mul3A_142 : i32
        %dma_wait3A_144 = tpu.memref_slice %arg3[%mul3A_143] : memref<320000xi32, #tpu.memory_space<hbm>> -> memref<128xi32, #tpu.memory_space<hbm>>
        %dma_wait3A_145 = tpu.memref_slice %arg3[%mul3A_143] : memref<320000xi32, #tpu.memory_space<hbm>> -> memref<128xi32, #tpu.memory_space<hbm>>
        tpu.wait_dma2 semaphore(%arg17 : memref<!tpu.dma_semaphore, #tpu.memory_space<semaphore_mem>>) src(%dma_wait3A_145 : memref<128xi32, #tpu.memory_space<hbm>>) dst(%arg7 : memref<128xi32, #tpu.memory_space<vmem>>)
        %dma_start3A_146 = arith.constant 0 : i32
        %dma_start3A_147 = arith.constant 0 : i32
        %dma_start3A_148 = tpu.memref_slice %arg12[%dma_start3A_146, %dma_start3A_147] : memref<10112x128xf32, #tpu.memory_space<vmem_shared>> -> memref<10112x128xf32, #tpu.memory_space<vmem_shared>>
        tpu.enqueue_indirect_dma source(%arg10 : memref<128x128xf32, #tpu.memory_space<vmem>>) target(%dma_start3A_148 : memref<10112x128xf32, #tpu.memory_space<vmem_shared>>) offsets(%arg7 : memref<128xi32, #tpu.memory_space<vmem>>) semaphore(%arg15 : memref<!tpu.dma_semaphore, #tpu.memory_space<semaphore_mem>>) {add = true}
        %mul3A_149 = arith.constant 128 : i32
        %mul3A_150 = arith.muli %add3A_92, %mul3A_149 : i32
        %dma_wait3A_151 = arith.constant 0 : i32
        %dma_wait3A_152 = arith.constant 0 : i32
        %dma_wait3A_153 = tpu.memref_slice %arg11[%dma_wait3A_151, %dma_wait3A_152] : memref<128x128xf32, #tpu.memory_space<vmem>> -> memref<64x128xf32, #tpu.memory_space<vmem>>
        %dma_wait3A_154 = tpu.memref_slice %arg6[%mul3A_150] : memref<10240xi32, #tpu.memory_space<vmem>> -> memref<64xi32, #tpu.memory_space<vmem>>
        %dma_wait3A_155 = arith.constant 0 : i32
        %dma_wait3A_156 = arith.constant 0 : i32
        %dma_wait3A_157 = tpu.memref_slice %arg2[%dma_wait3A_155, %dma_wait3A_156] : memref<10000x128xf32, #tpu.memory_space<hbm>> -> memref<10000x128xf32, #tpu.memory_space<hbm>>
        tpu.wait_indirect_dma semaphore(%arg14 : memref<!tpu.dma_semaphore, #tpu.memory_space<semaphore_mem>>) src(%dma_wait3A_157 : memref<10000x128xf32, #tpu.memory_space<hbm>>) dst(%dma_wait3A_153 : memref<64x128xf32, #tpu.memory_space<vmem>>)
        %mul3A_158 = arith.constant 128 : i32
        %mul3A_159 = arith.muli %add3A_92, %mul3A_158 : i32
        %add3A_160 = arith.constant 64 : i32
        %add3A_161 = arith.addi %mul3A_159, %add3A_160 : i32
        %dma_wait3A_162 = arith.constant 64 : i32
        %dma_wait3A_163 = arith.constant 0 : i32
        %dma_wait3A_164 = tpu.memref_slice %arg11[%dma_wait3A_162, %dma_wait3A_163] : memref<128x128xf32, #tpu.memory_space<vmem>> -> memref<64x128xf32, #tpu.memory_space<vmem>>
        %dma_wait3A_165 = tpu.memref_slice %arg6[%add3A_161] : memref<10240xi32, #tpu.memory_space<vmem>> -> memref<64xi32, #tpu.memory_space<vmem>>
        %dma_wait3A_166 = arith.constant 0 : i32
        %dma_wait3A_167 = arith.constant 0 : i32
        %dma_wait3A_168 = tpu.memref_slice %arg2[%dma_wait3A_166, %dma_wait3A_167] : memref<10000x128xf32, #tpu.memory_space<hbm>> -> memref<10000x128xf32, #tpu.memory_space<hbm>>
        tpu.wait_indirect_dma semaphore(%arg14 : memref<!tpu.dma_semaphore, #tpu.memory_space<semaphore_mem>>) src(%dma_wait3A_168 : memref<10000x128xf32, #tpu.memory_space<hbm>>) dst(%dma_wait3A_164 : memref<64x128xf32, #tpu.memory_space<vmem>>)
        %dma_wait3A_169 = arith.constant 0 : i32
        %dma_wait3A_170 = arith.constant 0 : i32
        %dma_wait3A_171 = tpu.memref_slice %arg12[%dma_wait3A_169, %dma_wait3A_170] : memref<10112x128xf32, #tpu.memory_space<vmem_shared>> -> memref<10112x128xf32, #tpu.memory_space<vmem_shared>>
        tpu.wait_indirect_dma semaphore(%arg15 : memref<!tpu.dma_semaphore, #tpu.memory_space<semaphore_mem>>) src(%arg10 : memref<128x128xf32, #tpu.memory_space<vmem>>) dst(%dma_wait3A_171 : memref<10112x128xf32, #tpu.memory_space<vmem_shared>>)
        %sub3A_172 = arith.constant 1 : i32
        %sub3A_173 = arith.subi %select_n3A, %sub3A_172 : i32
        %lt3A_174 = arith.cmpi slt, %scan3A_88, %sub3A_173 : i32
        %convert_element_type3A_175 = arith.extui %lt3A_174 : i1 to i32
        %cond3A_176 = arith.constant 0 : i32
        %cond3A_177 = arith.cmpi ne, %convert_element_type3A_175, %cond3A_176 : i32
        scf.if %cond3A_177 {
          %add3A_192 = arith.constant 2 : i32
          %add3A_193 = arith.addi %mul3A_90, %add3A_192 : i32
          %add3A_194 = arith.addi %select_n3A_10, %add3A_193 : i32
          %mul3A_195 = arith.constant 128 : i32
          %mul3A_196 = arith.muli %add3A_194, %mul3A_195 : i32
          %dma_start3A_197 = tpu.memref_slice %arg3[%mul3A_196] : memref<320000xi32, #tpu.memory_space<hbm>> -> memref<128xi32, #tpu.memory_space<hbm>>
          %dma_start3A_198 = tpu.memref_slice %arg3[%mul3A_196] : memref<320000xi32, #tpu.memory_space<hbm>> -> memref<128xi32, #tpu.memory_space<hbm>>
          tpu.enqueue_dma source(%dma_start3A_198 : memref<128xi32, #tpu.memory_space<hbm>>) target(%arg7 : memref<128xi32, #tpu.memory_space<vmem>>) target_semaphore(%arg17 : memref<!tpu.dma_semaphore, #tpu.memory_space<semaphore_mem>>)
          %add3A_199 = arith.constant 2 : i32
          %add3A_200 = arith.addi %mul3A_90, %add3A_199 : i32
          %mul3A_201 = arith.constant 128 : i32
          %mul3A_202 = arith.muli %add3A_200, %mul3A_201 : i32
          %dma_start3A_203 = arith.constant 0 : i32
          %dma_start3A_204 = arith.constant 0 : i32
          %dma_start3A_205 = tpu.memref_slice %arg10[%dma_start3A_203, %dma_start3A_204] : memref<128x128xf32, #tpu.memory_space<vmem>> -> memref<64x128xf32, #tpu.memory_space<vmem>>
          %dma_start3A_206 = tpu.memref_slice %arg6[%mul3A_202] : memref<10240xi32, #tpu.memory_space<vmem>> -> memref<64xi32, #tpu.memory_space<vmem>>
          %dma_start3A_207 = arith.constant 0 : i32
          %dma_start3A_208 = arith.constant 0 : i32
          %dma_start3A_209 = tpu.memref_slice %arg2[%dma_start3A_207, %dma_start3A_208] : memref<10000x128xf32, #tpu.memory_space<hbm>> -> memref<10000x128xf32, #tpu.memory_space<hbm>>
          tpu.enqueue_indirect_dma source(%dma_start3A_209 : memref<10000x128xf32, #tpu.memory_space<hbm>>) target(%dma_start3A_205 : memref<64x128xf32, #tpu.memory_space<vmem>>) offsets(%dma_start3A_206 : memref<64xi32, #tpu.memory_space<vmem>>) semaphore(%arg13 : memref<!tpu.dma_semaphore, #tpu.memory_space<semaphore_mem>>)
          %mul3A_210 = arith.constant 128 : i32
          %mul3A_211 = arith.muli %add3A_200, %mul3A_210 : i32
          %add3A_212 = arith.constant 64 : i32
          %add3A_213 = arith.addi %mul3A_211, %add3A_212 : i32
          %dma_start3A_214 = arith.constant 64 : i32
          %dma_start3A_215 = arith.constant 0 : i32
          %dma_start3A_216 = tpu.memref_slice %arg10[%dma_start3A_214, %dma_start3A_215] : memref<128x128xf32, #tpu.memory_space<vmem>> -> memref<64x128xf32, #tpu.memory_space<vmem>>
          %dma_start3A_217 = tpu.memref_slice %arg6[%add3A_213] : memref<10240xi32, #tpu.memory_space<vmem>> -> memref<64xi32, #tpu.memory_space<vmem>>
          %dma_start3A_218 = arith.constant 0 : i32
          %dma_start3A_219 = arith.constant 0 : i32
          %dma_start3A_220 = tpu.memref_slice %arg2[%dma_start3A_218, %dma_start3A_219] : memref<10000x128xf32, #tpu.memory_space<hbm>> -> memref<10000x128xf32, #tpu.memory_space<hbm>>
          tpu.enqueue_indirect_dma source(%dma_start3A_220 : memref<10000x128xf32, #tpu.memory_space<hbm>>) target(%dma_start3A_216 : memref<64x128xf32, #tpu.memory_space<vmem>>) offsets(%dma_start3A_217 : memref<64xi32, #tpu.memory_space<vmem>>) semaphore(%arg13 : memref<!tpu.dma_semaphore, #tpu.memory_space<semaphore_mem>>)
        } else {
        }
        %add3A_178 = arith.addi %select_n3A_10, %add3A_92 : i32
        %mul3A_179 = arith.constant 128 : i32
        %mul3A_180 = arith.muli %add3A_178, %mul3A_179 : i32
        %dma_wait3A_181 = tpu.memref_slice %arg3[%mul3A_180] : memref<320000xi32, #tpu.memory_space<hbm>> -> memref<128xi32, #tpu.memory_space<hbm>>
        %dma_wait3A_182 = tpu.memref_slice %arg3[%mul3A_180] : memref<320000xi32, #tpu.memory_space<hbm>> -> memref<128xi32, #tpu.memory_space<hbm>>
        tpu.wait_dma2 semaphore(%arg18 : memref<!tpu.dma_semaphore, #tpu.memory_space<semaphore_mem>>) src(%dma_wait3A_182 : memref<128xi32, #tpu.memory_space<hbm>>) dst(%arg8 : memref<128xi32, #tpu.memory_space<vmem>>)
        %dma_start3A_183 = arith.constant 0 : i32
        %dma_start3A_184 = arith.constant 0 : i32
        %dma_start3A_185 = tpu.memref_slice %arg12[%dma_start3A_183, %dma_start3A_184] : memref<10112x128xf32, #tpu.memory_space<vmem_shared>> -> memref<10112x128xf32, #tpu.memory_space<vmem_shared>>
        tpu.enqueue_indirect_dma source(%arg11 : memref<128x128xf32, #tpu.memory_space<vmem>>) target(%dma_start3A_185 : memref<10112x128xf32, #tpu.memory_space<vmem_shared>>) offsets(%arg8 : memref<128xi32, #tpu.memory_space<vmem>>) semaphore(%arg16 : memref<!tpu.dma_semaphore, #tpu.memory_space<semaphore_mem>>) {add = true}
        %sub3A_186 = arith.constant 1 : i32
        %sub3A_187 = arith.subi %select_n3A, %sub3A_186 : i32
        %lt3A_188 = arith.cmpi slt, %scan3A_88, %sub3A_187 : i32
        %convert_element_type3A_189 = arith.extui %lt3A_188 : i1 to i32
        %cond3A_190 = arith.constant 0 : i32
        %cond3A_191 = arith.cmpi ne, %convert_element_type3A_189, %cond3A_190 : i32
        scf.if %cond3A_191 {
          %add3A_192 = arith.constant 2 : i32
          %add3A_193 = arith.addi %add3A_92, %add3A_192 : i32
          %add3A_194 = arith.addi %select_n3A_10, %add3A_193 : i32
          %mul3A_195 = arith.constant 128 : i32
          %mul3A_196 = arith.muli %add3A_194, %mul3A_195 : i32
          %dma_start3A_197 = tpu.memref_slice %arg3[%mul3A_196] : memref<320000xi32, #tpu.memory_space<hbm>> -> memref<128xi32, #tpu.memory_space<hbm>>
          %dma_start3A_198 = tpu.memref_slice %arg3[%mul3A_196] : memref<320000xi32, #tpu.memory_space<hbm>> -> memref<128xi32, #tpu.memory_space<hbm>>
          tpu.enqueue_dma source(%dma_start3A_198 : memref<128xi32, #tpu.memory_space<hbm>>) target(%arg8 : memref<128xi32, #tpu.memory_space<vmem>>) target_semaphore(%arg18 : memref<!tpu.dma_semaphore, #tpu.memory_space<semaphore_mem>>)
        } else {
        }
      } else {
      }
    }
    %scan3A_75 = arith.constant 40 : i32
    %dma_wait3A = arith.constant 0 : i32
    %dma_wait3A_76 = arith.constant 0 : i32
    %dma_wait3A_77 = tpu.memref_slice %arg12[%dma_wait3A, %dma_wait3A_76] : memref<10112x128xf32, #tpu.memory_space<vmem_shared>> -> memref<10112x128xf32, #tpu.memory_space<vmem_shared>>
    tpu.wait_indirect_dma semaphore(%arg16 : memref<!tpu.dma_semaphore, #tpu.memory_space<semaphore_mem>>) src(%arg11 : memref<128x128xf32, #tpu.memory_space<vmem>>) dst(%dma_wait3A_77 : memref<10112x128xf32, #tpu.memory_space<vmem_shared>>)
    %lt3A_78 = arith.constant 4 : i32
    %lt3A_79 = arith.cmpi slt, %add3A, %lt3A_78 : i32
    %convert_element_type3A_80 = arith.extui %lt3A_79 : i1 to i32
    %cond3A_81 = arith.constant 0 : i32
    %cond3A_82 = arith.cmpi ne, %convert_element_type3A_80, %cond3A_81 : i32
    scf.if %cond3A_82 {
      %add3A_88 = arith.constant 2496 : i32
      %add3A_89 = arith.addi %add3A_88, %add3A : i32
      %mul3A_90 = arith.constant 128 : i32
      %mul3A_91 = arith.muli %add3A_89, %mul3A_90 : i32
      "tpu.region"() ({
        %run_scoped3A = tpu.sem_alloc : memref<!tpu.dma_semaphore, #tpu.memory_space<semaphore_mem>>
        %dma_start3A_106 = tpu.memref_slice %arg4[%mul3A_91] : memref<320000xi32, #tpu.memory_space<hbm>> -> memref<128xi32, #tpu.memory_space<hbm>>
        %dma_start3A_107 = tpu.memref_slice %arg4[%mul3A_91] : memref<320000xi32, #tpu.memory_space<hbm>> -> memref<128xi32, #tpu.memory_space<hbm>>
        tpu.enqueue_dma source(%dma_start3A_107 : memref<128xi32, #tpu.memory_space<hbm>>) target(%arg9 : memref<128xi32, #tpu.memory_space<vmem>>) target_semaphore(%run_scoped3A : memref<!tpu.dma_semaphore, #tpu.memory_space<semaphore_mem>>)
        %dma_wait3A_108 = tpu.memref_slice %arg4[%mul3A_91] : memref<320000xi32, #tpu.memory_space<hbm>> -> memref<128xi32, #tpu.memory_space<hbm>>
        %dma_wait3A_109 = tpu.memref_slice %arg4[%mul3A_91] : memref<320000xi32, #tpu.memory_space<hbm>> -> memref<128xi32, #tpu.memory_space<hbm>>
        tpu.wait_dma2 semaphore(%run_scoped3A : memref<!tpu.dma_semaphore, #tpu.memory_space<semaphore_mem>>) src(%dma_wait3A_109 : memref<128xi32, #tpu.memory_space<hbm>>) dst(%arg9 : memref<128xi32, #tpu.memory_space<vmem>>)
        tpu.yield
      }) : () -> ()
      %mul3A_92 = arith.constant 128 : i32
      %mul3A_93 = arith.muli %add3A_89, %mul3A_92 : i32
      "tpu.region"() ({
        %run_scoped3A = tpu.sem_alloc : memref<!tpu.dma_semaphore, #tpu.memory_space<semaphore_mem>>
        %dma_start3A_106 = tpu.memref_slice %arg3[%mul3A_93] : memref<320000xi32, #tpu.memory_space<hbm>> -> memref<128xi32, #tpu.memory_space<hbm>>
        %dma_start3A_107 = tpu.memref_slice %arg3[%mul3A_93] : memref<320000xi32, #tpu.memory_space<hbm>> -> memref<128xi32, #tpu.memory_space<hbm>>
        tpu.enqueue_dma source(%dma_start3A_107 : memref<128xi32, #tpu.memory_space<hbm>>) target(%arg7 : memref<128xi32, #tpu.memory_space<vmem>>) target_semaphore(%run_scoped3A : memref<!tpu.dma_semaphore, #tpu.memory_space<semaphore_mem>>)
        %dma_wait3A_108 = tpu.memref_slice %arg3[%mul3A_93] : memref<320000xi32, #tpu.memory_space<hbm>> -> memref<128xi32, #tpu.memory_space<hbm>>
        %dma_wait3A_109 = tpu.memref_slice %arg3[%mul3A_93] : memref<320000xi32, #tpu.memory_space<hbm>> -> memref<128xi32, #tpu.memory_space<hbm>>
        tpu.wait_dma2 semaphore(%run_scoped3A : memref<!tpu.dma_semaphore, #tpu.memory_space<semaphore_mem>>) src(%dma_wait3A_109 : memref<128xi32, #tpu.memory_space<hbm>>) dst(%arg7 : memref<128xi32, #tpu.memory_space<vmem>>)
        tpu.yield
      }) : () -> ()
      %dma_start3A_94 = arith.constant 0 : i32
      %dma_start3A_95 = arith.constant 0 : i32
      %dma_start3A_96 = tpu.memref_slice %arg2[%dma_start3A_94, %dma_start3A_95] : memref<10000x128xf32, #tpu.memory_space<hbm>> -> memref<10000x128xf32, #tpu.memory_space<hbm>>
      tpu.enqueue_indirect_dma source(%dma_start3A_96 : memref<10000x128xf32, #tpu.memory_space<hbm>>) target(%arg10 : memref<128x128xf32, #tpu.memory_space<vmem>>) offsets(%arg9 : memref<128xi32, #tpu.memory_space<vmem>>) semaphore(%arg13 : memref<!tpu.dma_semaphore, #tpu.memory_space<semaphore_mem>>)
      %dma_wait3A_97 = arith.constant 0 : i32
      %dma_wait3A_98 = arith.constant 0 : i32
      %dma_wait3A_99 = tpu.memref_slice %arg2[%dma_wait3A_97, %dma_wait3A_98] : memref<10000x128xf32, #tpu.memory_space<hbm>> -> memref<10000x128xf32, #tpu.memory_space<hbm>>
      tpu.wait_indirect_dma semaphore(%arg13 : memref<!tpu.dma_semaphore, #tpu.memory_space<semaphore_mem>>) src(%dma_wait3A_99 : memref<10000x128xf32, #tpu.memory_space<hbm>>) dst(%arg10 : memref<128x128xf32, #tpu.memory_space<vmem>>)
      %dma_start3A_100 = arith.constant 0 : i32
      %dma_start3A_101 = arith.constant 0 : i32
      %dma_start3A_102 = tpu.memref_slice %arg12[%dma_start3A_100, %dma_start3A_101] : memref<10112x128xf32, #tpu.memory_space<vmem_shared>> -> memref<10112x128xf32, #tpu.memory_space<vmem_shared>>
      tpu.enqueue_indirect_dma source(%arg10 : memref<128x128xf32, #tpu.memory_space<vmem>>) target(%dma_start3A_102 : memref<10112x128xf32, #tpu.memory_space<vmem_shared>>) offsets(%arg7 : memref<128xi32, #tpu.memory_space<vmem>>) semaphore(%arg15 : memref<!tpu.dma_semaphore, #tpu.memory_space<semaphore_mem>>) {add = true}
      %dma_wait3A_103 = arith.constant 0 : i32
      %dma_wait3A_104 = arith.constant 0 : i32
      %dma_wait3A_105 = tpu.memref_slice %arg12[%dma_wait3A_103, %dma_wait3A_104] : memref<10112x128xf32, #tpu.memory_space<vmem_shared>> -> memref<10112x128xf32, #tpu.memory_space<vmem_shared>>
      tpu.wait_indirect_dma semaphore(%arg15 : memref<!tpu.dma_semaphore, #tpu.memory_space<semaphore_mem>>) src(%arg10 : memref<128x128xf32, #tpu.memory_space<vmem>>) dst(%dma_wait3A_105 : memref<10112x128xf32, #tpu.memory_space<vmem_shared>>)
    } else {
    }
    %barrier3A_83 = arith.constant 0 : index
    tpu.barrier barrier_id(%barrier3A_83)
    %mul3A_84 = arith.constant 632 : i32
    %mul3A_85 = arith.muli %arg1, %mul3A_84 : i32
    %mul3A_86 = arith.constant 632 : i32
    %mul3A_87 = arith.muli %arg1, %mul3A_86 : i32
    "tpu.region"() ({
      %run_scoped3A = tpu.sem_alloc : memref<!tpu.dma_semaphore, #tpu.memory_space<semaphore_mem>>
      %dma_start3A_88 = arith.constant 0 : i32
      %dma_start3A_89 = tpu.memref_slice %arg5[%arg0, %mul3A_87, %dma_start3A_88] : memref<2x10112x128xf32, #tpu.memory_space<hbm>> -> memref<1x632x128xf32, #tpu.memory_space<hbm>>
      %dma_start3A_90 = tpu.memref_squeeze %dma_start3A_89 : memref<1x632x128xf32, #tpu.memory_space<hbm>> -> memref<632x128xf32, #tpu.memory_space<hbm>>
      %dma_start3A_91 = arith.constant 0 : i32
      %dma_start3A_92 = tpu.memref_slice %arg12[%mul3A_85, %dma_start3A_91] : memref<10112x128xf32, #tpu.memory_space<vmem_shared>> -> memref<632x128xf32, #tpu.memory_space<vmem_shared>>
      tpu.enqueue_dma source(%dma_start3A_92 : memref<632x128xf32, #tpu.memory_space<vmem_shared>>) target(%dma_start3A_90 : memref<632x128xf32, #tpu.memory_space<hbm>>) target_semaphore(%run_scoped3A : memref<!tpu.dma_semaphore, #tpu.memory_space<semaphore_mem>>)
      %dma_wait3A_93 = arith.constant 0 : i32
      %dma_wait3A_94 = tpu.memref_slice %arg5[%arg0, %mul3A_87, %dma_wait3A_93] : memref<2x10112x128xf32, #tpu.memory_space<hbm>> -> memref<1x632x128xf32, #tpu.memory_space<hbm>>
      %dma_wait3A_95 = tpu.memref_squeeze %dma_wait3A_94 : memref<1x632x128xf32, #tpu.memory_space<hbm>> -> memref<632x128xf32, #tpu.memory_space<hbm>>
      %dma_wait3A_96 = arith.constant 0 : i32
      %dma_wait3A_97 = tpu.memref_slice %arg12[%mul3A_85, %dma_wait3A_96] : memref<10112x128xf32, #tpu.memory_space<vmem_shared>> -> memref<632x128xf32, #tpu.memory_space<vmem_shared>>
      tpu.wait_dma2 semaphore(%run_scoped3A : memref<!tpu.dma_semaphore, #tpu.memory_space<semaphore_mem>>) src(%dma_wait3A_97 : memref<632x128xf32, #tpu.memory_space<vmem_shared>>) dst(%dma_wait3A_95 : memref<632x128xf32, #tpu.memory_space<hbm>>)
      tpu.yield
    }) : () -> ()
    return
  }
}

module attributes {stable_mosaic.version = 14 : i64} {
  func.func @body(%arg0: i32, %arg1: memref<2x2000x128xf32, #tpu.memory_space<vmem>>, %arg2: memref<128x128xf32, #tpu.memory_space<vmem>>, %arg3: memref<1x128xf32, #tpu.memory_space<vmem>>, %arg4: memref<2000x128xf32, #tpu.memory_space<vmem>>) attributes {dimension_semantics = [#tpu.dimension_semantics<arbitrary>], iteration_bounds = array<i64: 5>, scalar_prefetch = 0 : i64, scratch_operands = 0 : i64, tpu.core_type = #tpu.core_type<tc>, window_params = [{transform_indices = @transform_0, window_bounds = array<i64: 2, 2000, 128>}, {pipeline_mode = #tpu.pipeline_mode<synchronous>, transform_indices = @transform_1, window_bounds = array<i64: 128, 128>}, {pipeline_mode = #tpu.pipeline_mode<synchronous>, transform_indices = @transform_2, window_bounds = array<i64: 1, 128>}, {transform_indices = @transform_3, window_bounds = array<i64: 2000, 128>}]} {
    %get3A = arith.constant 0 : index
    %get3A_0 = arith.constant 0 : index
    %get3A_1 = arith.constant 0 : index
    %get3A_2 = vector.load %arg1[%get3A, %get3A_0, %get3A_1] : memref<2x2000x128xf32, #tpu.memory_space<vmem>>, vector<1x2000x128xf32>
    %get3A_3 = vector.shape_cast %get3A_2 : vector<1x2000x128xf32> to vector<2000x128xf32>
    %get3A_4 = arith.constant 1 : index
    %get3A_5 = arith.constant 0 : index
    %get3A_6 = arith.constant 0 : index
    %get3A_7 = vector.load %arg1[%get3A_4, %get3A_5, %get3A_6] : memref<2x2000x128xf32, #tpu.memory_space<vmem>>, vector<1x2000x128xf32>
    %get3A_8 = vector.shape_cast %get3A_7 : vector<1x2000x128xf32> to vector<2000x128xf32>
    %add3A = arith.addf %get3A_3, %get3A_8 : vector<2000x128xf32>
    %get3A_9 = arith.constant 0 : index
    %get3A_10 = arith.constant 0 : index
    %get3A_11 = vector.load %arg2[%get3A_9, %get3A_10] : memref<128x128xf32, #tpu.memory_space<vmem>>, vector<128x128xf32>
    %dot_general3A = arith.constant dense<0.000000e+00> : vector<2000x128xf32>
    %dot_general3A_12 = tpu.matmul %add3A, %get3A_11, %dot_general3A {dimension_numbers = #tpu.dot_dimension_numbers<[1], [0], [0], [1], [0, 0, 1, 1], [], []>, transpose_lhs_hint = false} : vector<2000x128xf32>, vector<128x128xf32>, vector<2000x128xf32> -> vector<2000x128xf32>
    %get3A_13 = arith.constant 0 : index
    %get3A_14 = arith.constant 0 : index
    %get3A_15 = vector.load %arg3[%get3A_13, %get3A_14] : memref<1x128xf32, #tpu.memory_space<vmem>>, vector<1x128xf32>
    %add3A_16 = vector.broadcast %get3A_15 : vector<1x128xf32> to vector<2000x128xf32>
    %add3A_17 = arith.addf %dot_general3A_12, %add3A_16 : vector<2000x128xf32>
    %reduce_max3A = arith.constant dense<0xFF800000> : vector<2000xf32>
    %reduce_max3A_18 = vector.multi_reduction <maximumf>, %add3A_17, %reduce_max3A [1] : vector<2000x128xf32> to vector<2000xf32>
    %broadcast_in_dim3A = vector.shape_cast %reduce_max3A_18 : vector<2000xf32> to vector<2000x1xf32>
    %sub3A = vector.broadcast %broadcast_in_dim3A : vector<2000x1xf32> to vector<2000x128xf32>
    %sub3A_19 = arith.subf %add3A_17, %sub3A : vector<2000x128xf32>
    %exp3A = math.exp %sub3A_19 : vector<2000x128xf32>
    %reduce_sum3A = arith.constant dense<0.000000e+00> : vector<2000xf32>
    %reduce_sum3A_20 = vector.multi_reduction <add>, %exp3A, %reduce_sum3A [1] : vector<2000x128xf32> to vector<2000xf32>
    %broadcast_in_dim3A_21 = vector.shape_cast %reduce_sum3A_20 : vector<2000xf32> to vector<2000x1xf32>
    %log3A = math.log %broadcast_in_dim3A_21 : vector<2000x1xf32>
    %add3A_22 = arith.addf %log3A, %broadcast_in_dim3A : vector<2000x1xf32>
    %sub3A_23 = vector.broadcast %add3A_22 : vector<2000x1xf32> to vector<2000x128xf32>
    %sub3A_24 = arith.subf %add3A_17, %sub3A_23 : vector<2000x128xf32>
    %swap3A = arith.constant 0 : index
    %swap3A_25 = arith.constant 0 : index
    %swap3A_26 = vector.load %arg4[%swap3A, %swap3A_25] : memref<2000x128xf32, #tpu.memory_space<vmem>>, vector<2000x128xf32>
    tpu.vector_store %arg4[%swap3A, %swap3A_25], %sub3A_24 {strides = array<i32>} : memref<2000x128xf32, #tpu.memory_space<vmem>>, vector<2000x128xf32>,
    return
  }
  func.func @transform_0(%arg0: i32) -> (i32, i32, i32) {
    %c0_i32 = arith.constant 0 : i32
    %c0_i32_0 = arith.constant 0 : i32
    %c0_i32_1 = arith.constant 0 : i32
    return %c0_i32, %arg0, %c0_i32_0 : i32, i32, i32
  }
  func.func @transform_1(%arg0: i32) -> (i32, i32) {
    %c0_i32 = arith.constant 0 : i32
    %c0_i32_0 = arith.constant 0 : i32
    %c0_i32_1 = arith.constant 0 : i32
    return %c0_i32, %c0_i32_0 : i32, i32
  }
  func.func @transform_2(%arg0: i32) -> (i32, i32) {
    %c0_i32 = arith.constant 0 : i32
    %c0_i32_0 = arith.constant 0 : i32
    %c0_i32_1 = arith.constant 0 : i32
    return %c0_i32, %c0_i32_0 : i32, i32
  }
  func.func @transform_3(%arg0: i32) -> (i32, i32) {
    %c0_i32 = arith.constant 0 : i32
    %c0_i32_0 = arith.constant 0 : i32
    return %arg0, %c0_i32 : i32, i32
  }
}

module attributes {stable_mosaic.version = 14 : i64} {
  func.func @body(%arg0: i32, %arg1: memref<2000x128xf32, #tpu.memory_space<vmem>>, %arg2: memref<128x128xf32, #tpu.memory_space<vmem>>, %arg3: memref<1x128xf32, #tpu.memory_space<vmem>>, %arg4: memref<2000x128xf32, #tpu.memory_space<vmem>>) attributes {dimension_semantics = [#tpu.dimension_semantics<arbitrary>], iteration_bounds = array<i64: 5>, scalar_prefetch = 0 : i64, scratch_operands = 0 : i64, tpu.core_type = #tpu.core_type<tc>, window_params = [{transform_indices = @transform_0, window_bounds = array<i64: 2000, 128>}, {pipeline_mode = #tpu.pipeline_mode<synchronous>, transform_indices = @transform_1, window_bounds = array<i64: 128, 128>}, {pipeline_mode = #tpu.pipeline_mode<synchronous>, transform_indices = @transform_2, window_bounds = array<i64: 1, 128>}, {transform_indices = @transform_3, window_bounds = array<i64: 2000, 128>}]} {
    %get3A = arith.constant 0 : index
    %get3A_0 = arith.constant 0 : index
    %get3A_1 = vector.load %arg1[%get3A, %get3A_0] : memref<2000x128xf32, #tpu.memory_space<vmem>>, vector<2000x128xf32>
    %get3A_2 = arith.constant 0 : index
    %get3A_3 = arith.constant 0 : index
    %get3A_4 = vector.load %arg2[%get3A_2, %get3A_3] : memref<128x128xf32, #tpu.memory_space<vmem>>, vector<128x128xf32>
    %dot_general3A = arith.constant dense<0.000000e+00> : vector<2000x128xf32>
    %dot_general3A_5 = tpu.matmul %get3A_1, %get3A_4, %dot_general3A {dimension_numbers = #tpu.dot_dimension_numbers<[1], [0], [0], [1], [0, 0, 1, 1], [], []>, transpose_lhs_hint = false} : vector<2000x128xf32>, vector<128x128xf32>, vector<2000x128xf32> -> vector<2000x128xf32>
    %get3A_6 = arith.constant 0 : index
    %get3A_7 = arith.constant 0 : index
    %get3A_8 = vector.load %arg3[%get3A_6, %get3A_7] : memref<1x128xf32, #tpu.memory_space<vmem>>, vector<1x128xf32>
    %add3A = vector.broadcast %get3A_8 : vector<1x128xf32> to vector<2000x128xf32>
    %add3A_9 = arith.addf %dot_general3A_5, %add3A : vector<2000x128xf32>
    %max3A = arith.constant 0.000000e+00 : f32
    %max3A_10 = vector.broadcast %max3A : f32 to vector<2000x128xf32>
    %max3A_11 = arith.maximumf %add3A_9, %max3A_10 : vector<2000x128xf32>
    %swap3A = arith.constant 0 : index
    %swap3A_12 = arith.constant 0 : index
    %swap3A_13 = vector.load %arg4[%swap3A, %swap3A_12] : memref<2000x128xf32, #tpu.memory_space<vmem>>, vector<2000x128xf32>
    tpu.vector_store %arg4[%swap3A, %swap3A_12], %max3A_11 {strides = array<i32>} : memref<2000x128xf32, #tpu.memory_space<vmem>>, vector<2000x128xf32>,
    return
  }
  func.func @transform_0(%arg0: i32) -> (i32, i32) {
    %c0_i32 = arith.constant 0 : i32
    %c0_i32_0 = arith.constant 0 : i32
    return %arg0, %c0_i32 : i32, i32
  }
  func.func @transform_1(%arg0: i32) -> (i32, i32) {
    %c0_i32 = arith.constant 0 : i32
    %c0_i32_0 = arith.constant 0 : i32
    %c0_i32_1 = arith.constant 0 : i32
    return %c0_i32, %c0_i32_0 : i32, i32
  }
  func.func @transform_2(%arg0: i32) -> (i32, i32) {
    %c0_i32 = arith.constant 0 : i32
    %c0_i32_0 = arith.constant 0 : i32
    %c0_i32_1 = arith.constant 0 : i32
    return %c0_i32, %c0_i32_0 : i32, i32
  }
  func.func @transform_3(%arg0: i32) -> (i32, i32) {
    %c0_i32 = arith.constant 0 : i32
    %c0_i32_0 = arith.constant 0 : i32
    return %arg0, %c0_i32 : i32, i32
  }
}

</mosaic_0001>

<sc_bundles>
// kernel: kernel.5.cloned.1.call-start
scs
__scs_entry_jumppad:
0x0: {  	(pc) =	sbr.rel $0x88, $3  }
0x1: {  	(tag) =	ssettag $0x0;
	lr =	simm.s32 $0x1  }
0x2: {  	[smem:$0x3F9B] =	sst lr;
	_ =	strace $0xD0000000  }
0x3: {  	_ = 	snop  }
0x4: {  	_ = 	snop  }
0x5: {  	_ = 	snop  }
0x6: {  	_ = 	snop  }
0x7: {  	_ = 	snop  }
__scs_overlays_trampoline_lowered:
0x8: {  	[smem:$0x3FAA] =	sst s0  }
0x9: {  	[smem:$0x3FAB] =	sst s1  }
0xa: {  	[smem:$0x3FAC] =	sst s2  }
0xb: {  	[smem:$0x3FAD] =	sst s3  }
0xc: {  	[smem:$0x3FAE] =	sst s4  }
0xd: {  	[smem:$0x3FAF] =	sst s5  }
0xe: {  	[smem:$0x3FB0] =	sst s6  }
0xf: {  	[smem:$0x3FB1] =	sst s7  }
0x10: {  	[smem:$0x3FB2] =	sst s8  }
0x11: {  	[smem:$0x3FB3] =	sst s9;
	s0 =	simm.s32 @!p0 $0x0  }
0x12: {  	s1 =	sld [smem:$0x3F99];
	s0 =	simm.s32 @p0 $0x1  }
0x13: {  	[smem:$0x3FB4] =	sst s0;
	s0 =	simm.s32 @!p1 $0x0  }
0x14: {  	s2 =	sld [smem:$0x3F98];
	s0 =	simm.s32 @p1 $0x1  }
0x15: {  	[smem:$0x3FB5] =	sst s0;
	s0 =	simm.s32 @!p2 $0x0  }
0x16: {  	s3 =	sld [smem:$0x3FDB];
	s0 =	simm.s32 @p2 $0x1  }
0x17: {  	s4 =	simm.s32 $0x1BF5;
	[smem:$0x3FB7] =	sst s0  }
0x18: {  	s0 =	sld [smem:$0x3F9A];
	_ =	swait.ge [sflag:s4], $0x0  }
0x19: {  	s7 =	sld [smem:$0x3F9B]  }
0x1a: {  	s8 =	sadd.s32 $0xFFFFE003, lr  }
0x1b: {  	s9 =	sadd.s32 $0xFFFFFEF7, lr;
	s5 =	simm.s32 $0xFFFFFFFF;
	p2 =	slt.u32 s8, $0xFFFFF086  }
0x1c: {  	p1 =	slt.u32 s9, $0xF7A;
	s5 =	simm.s32 @!p2 $0x0  }
0x1d: {  	s5 =	simm.s32 @p1 $0x1;
	p0 =	seq.s32 s7, s2  }
0x1e: {  	s7 =	smul.u32 @!p0 $0xF7A, s2;
	p2 =	seq.s32 @!p0 s5, $0x0  }
0x1f: {  	s9 =	smul.u32 $0xF7A, s1;
	s8 =	simm.s32 @!p0 $0x1BF5;
	p2 =	por !p2, p0  }
0x20: {  	[sflag:s8] =	ssyncset.s32 @!p0 $0xFFFFF086;
	s6 =	sadd.s32 @!p0 s3, s7;
	s7 =	simm.s32 @!p0 $0x108  }
0x21: {  	s3 =	sadd.s32 s3, s9;
	s6 =	sadd.s32 @!p0 $0x88, s6;
	s7 =	simm.s32 @p2 $0x1082  }
0x22: {  	[simem:s7], [sflag:s8] =	dma.local @!p0 [hbm:s6], $0xF7A  }
0x23: {  	s9 =	sor.u32 $0xD0000000, s2;
	s6 =	simm.s32 $0x108;
	_ =	swait.ge @!p0 [sflag:s8], $0x0  }
0x24: {  	s3 =	sadd.s32 $0x88, s3;
	s6 =	simm.s32 @!p1 $0x1082;
	[sflag:s4] =	ssyncset.s32 $0xFFFFF086  }
0x25: {  	[simem:s6], [sflag:s4] =	dma.local [hbm:s3], $0xF7A  }
0x26: {  	[smem:$0x3F9B] =	sst s1;
	(tag) =	ssettag s2;
	_ =	strace s9  }
0x27: {  	s1 =	sld [smem:$0x3FAB]  }
0x28: {  	s2 =	sld [smem:$0x3FAC]  }
0x29: {  	s4 =	sld [smem:$0x3FAE]  }
0x2a: {  	p0 =	seq.s32 s5, $0x0;
	s5 =	sld [smem:$0x3FAF]  }
0x2b: {  	s6 =	sld [smem:$0x3FB0]  }
0x2c: {  	s7 =	sld [smem:$0x3FB1]  }
0x2d: {  	s3 =	simm.s32 $0x108;
	s8 =	sld [smem:$0x3FB2]  }
0x2e: {  	s3 =	simm.s32 @!p0 $0x1082;
	s9 =	sld [smem:$0x3FB3]  }
0x2f: {  	lr =	sadd.s32 s0, s3;
	s0 =	sld [smem:$0x3FAA]  }
0x30: {  	s3 =	sld [smem:$0x3FAD]  }
0x31: {  	[smem:$0x3FB6] =	sst s10  }
0x32: {  	s10 =	sld [smem:$0x3FB4];
	_ =	sdelay $0x3  }
0x33: {  	p0 =	seq.s32 s10, $0x1;
	s10 =	sld [smem:$0x3FB6];
	_ =	sdelay $0x3  }
0x34: {  	[smem:$0x3FB6] =	sst s10  }
0x35: {  	s10 =	sld [smem:$0x3FB5];
	_ =	sdelay $0x3  }
0x36: {  	p1 =	seq.s32 s10, $0x1;
	s10 =	sld [smem:$0x3FB6];
	_ =	sdelay $0x3  }
0x37: {  	[smem:$0x3FB6] =	sst s10  }
0x38: {  	s10 =	sld [smem:$0x3FB7]  }
0x39: {  	_ = 	snop;
	(pc) =	sbr.ind lr, $3  }
0x3a: {  	_ = 	snop  }
0x3b: {  	_ = 	snop  }
0x3c: {  	p2 =	seq.s32 s10, $0x1;
	s10 =	sld [smem:$0x3FB6]  }
0x3d: {  	_ =	shalt  }
0x3e: {  	_ =	shalt  }
0x3f: {  	_ =	shalt  }
0x40: {  	_ =	shalt  }
0x41: {  	_ =	shalt  }
0x42: {  	_ =	shalt  }
0x43: {  	_ =	shalt  }
0x44: {  	_ =	shalt  }
0x45: {  	_ =	shalt  }
0x46: {  	_ =	shalt  }
0x47: {  	_ =	shalt  }
0x48: {  	_ =	shalt  }
0x49: {  	_ =	shalt  }
0x4a: {  	_ =	shalt  }
0x4b: {  	_ =	shalt  }
0x4c: {  	_ =	shalt  }
0x4d: {  	_ =	shalt  }
0x4e: {  	_ =	shalt  }
0x4f: {  	_ =	shalt  }
0x50: {  	_ =	shalt  }
0x51: {  	_ =	shalt  }
0x52: {  	_ =	shalt  }
0x53: {  	_ =	shalt  }
0x54: {  	_ =	shalt  }
0x55: {  	_ =	shalt  }
0x56: {  	_ =	shalt  }
0x57: {  	_ =	shalt  }
0x58: {  	_ =	shalt  }
0x59: {  	_ =	shalt  }
0x5a: {  	_ =	shalt  }
0x5b: {  	_ =	shalt  }
0x5c: {  	_ =	shalt  }
0x5d: {  	_ =	shalt  }
0x5e: {  	_ =	shalt  }
0x5f: {  	_ =	shalt  }
0x60: {  	_ =	shalt  }
0x61: {  	_ =	shalt  }
0x62: {  	_ =	shalt  }
0x63: {  	_ =	shalt  }
0x64: {  	_ =	shalt  }
0x65: {  	_ =	shalt  }
0x66: {  	_ =	shalt  }
0x67: {  	_ =	shalt  }
0x68: {  	_ =	shalt  }
0x69: {  	_ =	shalt  }
0x6a: {  	_ =	shalt  }
0x6b: {  	_ =	shalt  }
0x6c: {  	_ =	shalt  }
0x6d: {  	_ =	shalt  }
0x6e: {  	_ =	shalt  }
0x6f: {  	_ =	shalt  }
0x70: {  	_ =	shalt  }
0x71: {  	_ =	shalt  }
0x72: {  	_ =	shalt  }
0x73: {  	_ =	shalt  }
0x74: {  	_ =	shalt  }
0x75: {  	_ =	shalt  }
0x76: {  	_ =	shalt  }
0x77: {  	_ =	shalt  }
0x78: {  	_ =	shalt  }
0x79: {  	_ =	shalt  }
0x7a: {  	_ =	shalt  }
0x7b: {  	_ =	shalt  }
0x7c: {  	_ =	shalt  }
0x7d: {  	_ =	shalt  }
0x7e: {  	_ =	shalt  }
0x7f: {  	_ =	shalt  }
0x80: {  	_ =	shalt  }
0x81: {  	_ =	shalt  }
0x82: {  	_ =	shalt  }
0x83: {  	_ =	shalt  }
0x84: {  	_ =	shalt  }
0x85: {  	_ =	shalt  }
0x86: {  	_ =	shalt  }
0x87: {  	_ =	shalt  }
.Lfunc_end0:
.L_simem_size_0:
called_computation_lowered:
.L_overlay_start_0:
0x88: {  	s2 =	sld [smem:$0x3FD9]  }
0x89: {  	s3 =	sld [smem:$0x3FFE];
	_ =	sdelay $0x1  }
0x8a: {  	s1 =	srdreg.scid  }
0x8b: {  	s0 =	sand.u32 $0x1, s1  }
0x8c: {  	s17 =	sshll.u32 s0, $0xA;
	s2 =	sadd.s32 s3, s2  }
0x8d: {  	s2 =	sadd.s32 s2, s17  }
0x8e: {  	[smem:$0x3FC2] =	sst s2  }
0x8f: {  	_ = 	snop  }
0x90: {  	s2 =	sld [smem:$0x3FD0];
	(tm) =	ssettm $0x1  }
0x91: {  	s18 =	sld [smem:$0x3FFB];
	_ =	sdelay $0x3  }
0x92: {  	_ =	strace s18  }
0x93: {  	s3 =	sld [smem:$0x3FFC];
	_ =	sdelay $0x3  }
0x94: {  	_ =	strace s3  }
0x95: {  	s3 =	sld [smem:$0x3FFD];
	_ =	sdelay $0x3  }
0x96: {  	_ =	strace s3  }
0x97: {  	_ =	strace $0x8FFFFFFF  }
0x98: {  	s19 =	sld [smem:$0x3FDB];
	_ =	sdelay $0x1  }
0x99: {  	s4 =	simm.s32 $_scs_section_size  }
0x9a: {  	s5 =	simm.s32 $_size__tile_overlayer_lowered;
	s6 =	simm.s32 $_tile_overlayer_lowered  }
0x9b: {  	s22 =	simm.s32 $0x1BFF;
	s21 =	sshll.u32 s6, $0x1;
	s3 =	sadd.s32 s4, s19  }
0x9c: {  	s7 =	simm.s32 $0x0;
	s20 =	sshll.u32 s5, $0x1;
	s5 =	sadd.s32 s21, s3  }
0x9d: {  	[timem:s7], [sflag:s22] =	dma.local [hbm:s5], s20  }
0x9e: {  	_ =	swait.ge [sflag:s22], s20  }
0x9f: {  	s4 =	ssub.s32 $0x0, s20;
	[sflag:s22] =	ssyncset.done $0x0  }
0xa0: {  	[sflag:s22] =	ssyncadd.s32 s4;
	_ =	sdelay $0x1  }
0xa1: {  	s23 =	simm.s32 $0x1B8B  }
0xa2: {  	_ =	swait.ge [sflag:s23], $0x1  }
0xa3: {  	[sflag:s23] =	ssyncset.done $0x0  }
0xa4: {  	s25 =	simm.s32 $0x1B8E;
	s24 =	sld [smem:$0x3FFE];
	[sflag:s23] =	ssyncadd.s32 $0xFFFFFFFF  }
0xa5: {  	s26 =	simm.s32 $execute0_lowered;
	[smem:$0x3FD2] =	sst s25  }
0xa6: {  	s5 =	sshll.u32 s26, $0x1;
	_ =	strace $0x80000046;
	[dreg:$0x1] =	wrdreg $0xFFFFFFFF  }
0xa7: {  	s28 =	simm.s32 $_size_execute0_lowered;
	s3 =	sadd.s32 s3, s5;
	[dreg:$0x0] =	wrdreg $0x0  }
0xa8: {  	s5 =	sshll.u32 s28, $0x1;
	[dreg:$0x2] =	wrdreg s3  }
0xa9: {  	[dreg:$0x3] =	wrdreg s5  }
0xaa: {  	[dreg:$0x4] =	wrdreg $0xC0  }
0xab: {  	_ =	task [dreg:s7], $0x5FFFF  }
0xac: {  	[dreg:$0x1] =	wrdreg $0xFFFFFFFF  }
0xad: {  	[dreg:$0x0] =	wrdreg $0x60  }
0xae: {  	[dreg:$0x2] =	wrdreg s2  }
0xaf: {  	[dreg:$0x3] =	wrdreg s24  }
0xb0: {  	[dreg:$0x4] =	wrdreg $0xA9800  }
0xb1: {  	[dreg:$0x5] =	wrdreg $0x9  }
0xb2: {  	_ =	task.clear_ibuf [dreg:s7], $0x6FFFF;
	_ =	strace $0x90000046  }
0xb3: {  	s29 =	simm.s32 $0x9;
	_ =	strace $0x80000048  }
0xb4: {  	_ =	swait.ge [sflag:s29], $0x1  }
0xb5: {  	[sflag:s29] =	ssyncadd.s32 $0xFFFFFFFF  }
0xb6: {  	_ =	strace $0x90000048  }
0xb7: {  	_ =	sfence  }
0xb8: {  	s30 =	sld [smem:$0x0];
	_ =	sdelay $0x2  }
0xb9: {  	s31 =	sshll.u32 s1, $0xD;
	s1 =	sshrl.u32 s1, $0x2  }
0xba: {  	s3 =	sand.u32 $0x4000, s31;
	s1 =	sadd.s32 s1, s30  }
0xbb: {  	s0 =	sor.u32 s3, s0;
	s1 =	sshll.u32 s1, $0x11  }
0xbc: {  	s0 =	sor.u32 s1, s0  }
0xbd: {  	s0 =	sadd.s32 $0x8F2B, s0  }
0xbe: {  	[sflag:s0] =	ssyncadd.remote.s32 $0x1  }
0xbf: {  	_ =	sfence.sel $0xFFFF  }
0xc0: {  	[dreg:$0x0] =	wrdreg $0xFFFFFFFF;
	(pc) =	sbr.abs _section_cstart, $3  }
0xc1: {  	[dreg:$0x1] =	wrdreg $0xFFFFFFFF  }
0xc2: {  	_ =	task.clear_ibuf [dreg:s7], $0x2FFFF;
	_ =	strace $0x9FFFFFFF  }
0xc3: {  	(tm) =	ssettm $0x7FFFFFFF  }
tec
execute0_lowered:
.L_overlay_start_1:
0x0: {  	(tag) =	ssettag $0x1  }
0x1: {  	s1 =	rddreg [dreg:$0x0]  }
0x2: {  	s0 =	rddreg [dreg:$0x1]  }
0x3: {  	s2 =	rddreg [dreg:$0x2];
	s3 =	srdreg.scid  }
0x4: {  	s4 =	simm.s32 $0x0;
	s13 =	stileid.u32;
	s28 =	simm.s32 $0x40  }
0x5: {  	s29 =	simm.s32 $0x4980;
	s30 =	simm.s32 $0x80;
	s31 =	simm.s32 $0x6980  }
0x6: {  	s3 =	sand.u32 $0x1, s3;
	[smem:$0x7FF] =	sst s4;
	s6 =	smul.u32 $0x13C00, s13  }
0x7: {  	s7 =	sadd.s32 $0xA800, s0;
	s9 =	sshll.u32 s13, $0x1;
	s17 =	smul.u32 $0x4F000, s13  }
0x8: {  	s5 =	smul.u32 $0x13C000, s3;
	s16 =	ssub.s32 $0x2, s3;
	s3 =	sor.u32 s3, s9  }
0x9: {  	s8 =	sadd.s32 $0xA00, s0;
	p0 =	slt.u32 s13, $0xC;
	s18 =	smul.u32 $0x48, s3  }
0xa: {  	p1 =	sgt.u32 s13, $0x1;
	_ =	strace $0x80000047;
	s11 =	smul.u32 $0x50, s3  }
0xb: {  	s10 =	sshrl.u32 s16, $0x1;
	s9 =	sshrl.u32 s17, $0x2;
	s22 =	smul.u32 $0x500, s3  }
0xc: {  	s3 =	sshll.u32 s3, $0x4;
	s5 =	sadd.s32 s6, s5;
	s10 =	ssub.s32 s16, s10  }
0xd: {  	s6 =	sadd.s32 s9, s2;
	s3 =	sor.u32 $0x9C00, s3;
	s5 =	sshrl.u32 s5, $0x3  }
0xe: {  	s12 =	sadd.s32 $0xC0, s18;
	s9 =	sadd.s32 $0x4000, s6;
	s14 =	sadd.s32 $0x8000, s6  }
0xf: {  	s20 =	sadd.s32 $0xC000, s6;
	s21 =	sadd.s32 $0x10000, s6;
	[dreg:$0x4] =	wrdreg s9  }
0x10: {  	s25 =	smax.u32 s10, $0x1;
	s10 =	simm.s32 $0x1;
	[dreg:$0x5] =	wrdreg s14  }
0x11: {  	s0 =	sadd.s32 s5, s0;
	s5 =	simm.s32 $0x28;
	[dreg:$0x6] =	wrdreg s20  }
0x12: {  	s19 =	sshll.u32 s12, $0x4;
	s12 =	smov.u32 @p0 s11;
	[dreg:$0x7] =	wrdreg s21  }
0x13: {  	s11 =	sadd.s32 s8, s22;
	[dreg:$0xf] =	wrdreg s25;
	s25 =	simm.s32 $0x2800  }
0x14: {  	s5 =	simm.s32 @!p0 $0x24;
	s9 =	sadd.s32 s8, s19;
	[dreg:$0x9] =	wrdreg s11  }
0x15: {  	s12 =	sshll.u32 s12, $0x4;
	s8 =	sadd.s32 s8, s3;
	[dreg:$0x8] =	wrdreg s9  }
0x16: {  	s3 =	sadd.s32 s7, s3;
	s0 =	sadd.s32 $0x14600, s0;
	[dreg:$0xc] =	wrdreg s8  }
0x17: {  	p0 =	sgt.u32 s13, $0xB;
	s11 =	simm.s32 $0x4;
	[dreg:$0xd] =	wrdreg s3  }
0x18: {  	s23 =	sand.u32 $0x1FFFFF80, s12;
	s15 =	sadd.s32 $0xFFFFFFFF, s5;
	[dreg:$0xe] =	wrdreg s0  }
0x19: {  	s24 =	sadd.s32 s12, s7;
	s3 =	simm.s32 $0x8980;
	s0 =	simm.s32 $0x5  }
.Ltmp0:
0x1a: {  	s8 =	simm.s32 $0x3;
	s9 =	sadd.s32 s7, s23;
	(pc) =	sbr.rel .LBB2_1-.Ltmp0, $4  }
0x1b: {  	s26 =	sadd.s32 $0x20, s24;
	s21 =	sadd.s32 $0x30, s24;
	s16 =	sadd.s32 $0x50, s24  }
0x1c: {  	s23 =	simm.s32 $0x2980;
	s24 =	simm.s32 $0x7;
	[dreg:$0xa] =	wrdreg s9  }
0x1d: {  	s7 =	simm.s32 $0x2;
	s9 =	sadd.s32 $0x10, s9;
	[dreg:$0x10] =	wrdreg s26  }
0x1e: {  	v0 =	vimm.f32 $0.0e+00;
	s26 =	simm.s32 $0x2880;
	[dreg:$0xb] =	wrdreg s9;
	s9 =	simm.s32 $0x6  }
.LBB2_7:
0x1f: {  	_ =	swait.ge [sflag:s11], $0x4000  }
0x20: {  	s12 =	simm.s32 @!p1 $0x0;
	[sflag:s11] =	ssyncset.done $0x0  }
0x21: {  	s13 =	simm.s32 @!p1 $0x2900;
	s14 =	rddreg [dreg:$0xc];
	[sflag:s11] =	ssyncadd.s32 $0xFFFFC000  }
0x22: {  	[tilespmem:s13], [sflag:$0x7] =	stream.linear.gather @!p1 [hbm4b:s14+s12], $0x80, $0x38;
	[tilespmem:$0x1E580] =	vst v63  }
0x23: {  	s14 =	simm.s32 @!p1 $0x7  }
0x24: {  	_ =	swait.ge @!p1 [sflag:s14], $0x80  }
0x25: {  	[sflag:s14] =	ssyncset.done @!p1 $0x0  }
0x26: {  	s17 =	simm.s32 @!p1 $0x2800;
	s18 =	rddreg [dreg:$0xd];
	[sflag:s14] =	ssyncadd.s32 @!p1 $0xFFFFFF80  }
0x27: {  	[tilespmem:s17], [sflag:$0x7] =	stream.linear.gather @!p1 [hbm4b:s18+s12], $0x80, $0x38;
	[tilespmem:$0x1E580] =	vst v63  }
0x28: {  	_ =	swait.ge @!p1 [sflag:s14], $0x80  }
0x29: {  	[sflag:s14] =	ssyncset.done @!p1 $0x0  }
0x2a: {  	s12 =	simm.s32 @!p1 $0x80;
	[sflag:s14] =	ssyncadd.s32 @!p1 $0xFFFFFF80;
	s14 =	simm.s32 @!p1 $0x2980  }
0x2b: {  	[tilespmem:s14], [sflag:$0x1] =	stream.indirect.gather @!p1 [hbm4b:s1+s12], $0x80, s13, s12, $0xb8;
	[tilespmem:$0x1E580] =	vst v63  }
0x2c: {  	s13 =	simm.s32 @!p1 $0x1  }
0x2d: {  	_ =	swait.ge @!p1 [sflag:s13], $0x4000  }
0x2e: {  	[sflag:s13] =	ssyncset.done @!p1 $0x0  }
0x2f: {  	[sflag:s13] =	ssyncadd.s32 @!p1 $0xFFFFC000  }
0x30: {  	[spmem:s2] =	stream.indirect.scatter.add.f32 @!p1 [tilespmem:s14], [sflag:$0x3], $0x80, s17, s12, $0xb8;
	[tilespmem:$0x1E580] =	vst v63  }
0x31: {  	s12 =	simm.s32 @!p1 $0x3  }
0x32: {  	_ =	swait.ge @!p1 [sflag:s12], $0x4000  }
0x33: {  	[sflag:s12] =	ssyncset.done @!p1 $0x0  }
0x34: {  	s18 =	stileid.u32;
	[sflag:s12] =	ssyncadd.s32 @!p1 $0xFFFFC000  }
0x35: {  	s12 =	sshll.u32 s18, $0x6;
	[bflag:$0x0] =	sbarrier.arrive $0xFFFF  }
0x36: {  	s19 =	sshrl.u32 s6, $0x3;
	s12 =	sor.u32 $0x1C07, s12;
	s20 =	rddreg [dreg:$0xe]  }
0x37: {  	[hbm:s20], [sflag:s12] =	dma.local [spmem:s19], $0x2780  }
0x38: {  	_ =	swait.ge [sflag:s24], $0x2780  }
0x39: {  	s4 =	sadd.s32 $0x1, s4;
	s22 =	rddreg [dreg:$0xf]  }
0x3a: {  	p2 =	sne.s32 s4, s22  }
.Ltmp1:
0x3b: {  	_ = 	snop;
	(pc) =	sbr.rel @!p2 .LBB2_8-.Ltmp1, $3  }
0x3c: {  	_ =	sdelay $0x1  }
0x3d: {  	[sflag:s24] =	ssyncset.done $0x0  }
0x3e: {  	[sflag:s24] =	ssyncadd.s32 $0xFFFFD880  }
.LBB2_1:
0x3f: {  	s12 =	simm.s32 $0x0;
	s14 =	simm.s32 $0x200  }
.LBB2_2:
0x40: {  	p2 =	sne.s32 s14, $0xFE00;
	[tilespmem:s12+$0x29F0] =	vst v0  }
0x41: {  	[tilespmem:s12+$0x2980] =	vst v0  }
0x42: {  	[tilespmem:s12+$0x2990] =	vst v0  }
.Ltmp2:
0x43: {  	[tilespmem:s12+$0x29A0] =	vst v0;
	(pc) =	sbr.rel @p2 .LBB2_2-.Ltmp2, $4  }
0x44: {  	[tilespmem:s12+$0x29B0] =	vst v0  }
0x45: {  	[tilespmem:s12+$0x29C0] =	vst v0  }
0x46: {  	[tilespmem:s12+$0x29D0] =	vst v0  }
0x47: {  	[tilespmem:s12+$0x29E0] =	vst v0;
	s12 =	sshra.s32 s14, $0x2;
	s14 =	sadd.s32 $0x200, s14  }
0x48: {  	[tilespmem:s12+$0x29F0] =	vst v0  }
0x49: {  	[tilespmem:s12+$0x2980] =	vst v0  }
0x4a: {  	[tilespmem:s12+$0x2990] =	vst v0  }
0x4b: {  	[tilespmem:s12+$0x29A0] =	vst v0  }
0x4c: {  	[tilespmem:s12+$0x29B0] =	vst v0  }
0x4d: {  	[tilespmem:s12+$0x29C0] =	vst v0  }
0x4e: {  	[tilespmem:s12+$0x29D0] =	vst v0  }
0x4f: {  	[tilespmem:s12+$0x29E0] =	vst v0  }
0x50: {  	[spmem:s6] =	stream.linear.scatter [tilespmem:s23], [sflag:$0x7], $0x4000, $0x38;
	[tilespmem:$0x1E580] =	vst v63  }
0x51: {  	_ =	swait.ge [sflag:s24], $0x4000  }
0x52: {  	[sflag:s24] =	ssyncset.done $0x0  }
0x53: {  	s19 =	rddreg [dreg:$0x4];
	[sflag:s24] =	ssyncadd.s32 $0xFFFFC000  }
0x54: {  	[spmem:s19] =	stream.linear.scatter [tilespmem:s23], [sflag:$0x7], $0x4000, $0x38;
	[tilespmem:$0x1E580] =	vst v63  }
0x55: {  	_ =	swait.ge [sflag:s24], $0x4000  }
0x56: {  	[sflag:s24] =	ssyncset.done $0x0  }
0x57: {  	s20 =	rddreg [dreg:$0x5];
	[sflag:s24] =	ssyncadd.s32 $0xFFFFC000  }
0x58: {  	[spmem:s20] =	stream.linear.scatter [tilespmem:s23], [sflag:$0x7], $0x4000, $0x38;
	[tilespmem:$0x1E580] =	vst v63  }
0x59: {  	_ =	swait.ge [sflag:s24], $0x4000  }
0x5a: {  	[sflag:s24] =	ssyncset.done $0x0  }
0x5b: {  	s22 =	rddreg [dreg:$0x6];
	[sflag:s24] =	ssyncadd.s32 $0xFFFFC000  }
0x5c: {  	[spmem:s22] =	stream.linear.scatter [tilespmem:s23], [sflag:$0x7], $0x4000, $0x38;
	[tilespmem:$0x1E580] =	vst v63  }
0x5d: {  	_ =	swait.ge [sflag:s24], $0x4000  }
0x5e: {  	[sflag:s24] =	ssyncset.done $0x0  }
0x5f: {  	s13 =	rddreg [dreg:$0x7];
	[sflag:s24] =	ssyncadd.s32 $0xFFFFC000  }
0x60: {  	[spmem:s13] =	stream.linear.scatter [tilespmem:s23], [sflag:$0x7], $0x3C00, $0x38;
	[tilespmem:$0x1E580] =	vst v63  }
0x61: {  	_ =	swait.ge [sflag:s24], $0x3C00  }
0x62: {  	[sflag:s24] =	ssyncset.done $0x0  }
0x63: {  	s12 =	simm.s32 @p0 $0x0;
	s13 =	rddreg [dreg:$0x8];
	[sflag:s24] =	ssyncadd.s32 $0xFFFFC400  }
0x64: {  	[tilespmem:s12], [sflag:$0x7] =	stream.linear.gather @p0 [hbm4b:s13+s12], $0x2400, $0x38;
	[tilespmem:$0x1E580] =	vst v63  }
0x65: {  	s12 =	simm.s32 @p0 $0x7  }
0x66: {  	_ =	swait.ge @p0 [sflag:s12], $0x2400  }
0x67: {  	[sflag:s12] =	ssyncset.done @p0 $0x0  }
0x68: {  	s13 =	rddreg [dreg:$0x9];
	[sflag:s12] =	ssyncadd.s32 @p0 $0xFFFFDC00;
	s12 =	simm.s32 @!p0 $0x0  }
0x69: {  	[tilespmem:s12], [sflag:$0x7] =	stream.linear.gather @!p0 [hbm4b:s13+s12], $0x2800, $0x38;
	[tilespmem:$0x1E580] =	vst v63  }
0x6a: {  	s12 =	simm.s32 @!p0 $0x7  }
0x6b: {  	_ =	swait.ge @!p0 [sflag:s12], $0x2800  }
0x6c: {  	[sflag:s12] =	ssyncset.done @!p0 $0x0  }
0x6d: {  	[sflag:s12] =	ssyncadd.s32 @!p0 $0xFFFFD800  }
0x6e: {  	[bflag:$0x0] =	sbarrier.arrive $0xFFFF  }
0x6f: {  	s12 =	simm.s32 $0x0;
	s14 =	rddreg [dreg:$0xa]  }
0x70: {  	[tilespmem:s25], [sflag:$0x5] =	stream.linear.gather [hbm4b:s14+s12], $0x80, $0x38;
	[tilespmem:$0x1E580] =	vst v63  }
0x71: {  	s17 =	rddreg [dreg:$0xb]  }
0x72: {  	[tilespmem:s26], [sflag:$0x6] =	stream.linear.gather [hbm4b:s17+s12], $0x80, $0x38;
	[tilespmem:$0x1E580] =	vst v63  }
0x73: {  	_ = 	snop  }
0x74: {  	[tilespmem:s23], [sflag:$0x1] =	stream.indirect.gather [hbm4b:s1+s28], $0x80, s12, s28, $0xb8;
	[tilespmem:$0x1E580] =	vst v63  }
0x75: {  	s14 =	simm.s32 $0x1  }
0x76: {  	[tilespmem:s29], [sflag:$0x1] =	stream.indirect.gather [hbm4b:s1+s28], $0x80, s28, s28, $0xb8;
	[tilespmem:$0x1E580] =	vst v63  }
0x77: {  	_ =	swait.ge [sflag:s14], $0x2000  }
0x78: {  	[sflag:s14] =	ssyncset.done $0x0  }
0x79: {  	[sflag:s14] =	ssyncadd.s32 $0xFFFFE000  }
0x7a: {  	_ =	swait.ge [sflag:s14], $0x2000  }
0x7b: {  	[sflag:s14] =	ssyncset.done $0x0  }
0x7c: {  	[sflag:s14] =	ssyncadd.s32 $0xFFFFE000  }
0x7d: {  	[tilespmem:s31], [sflag:$0x2] =	stream.indirect.gather [hbm4b:s1+s28], $0x80, s30, s28, $0xb8;
	[tilespmem:$0x1E580] =	vst v63  }
0x7e: {  	s18 =	simm.s32 $0xC0  }
0x7f: {  	[tilespmem:s3], [sflag:$0x2] =	stream.indirect.gather [hbm4b:s1+s28], $0x80, s18, s28, $0xb8;
	[tilespmem:$0x1E580] =	vst v63  }
0x80: {  	_ =	swait.ge [sflag:s0], $0x80  }
0x81: {  	[sflag:s0] =	ssyncset.done $0x0  }
0x82: {  	[sflag:s0] =	ssyncadd.s32 $0xFFFFFF80  }
0x83: {  	[spmem:s2] =	stream.indirect.scatter.add.f32 [tilespmem:s23], [sflag:$0x3], $0x80, s25, s30, $0xb8;
	[tilespmem:$0x1E580] =	vst v63  }
0x84: {  	_ =	swait.ge [sflag:s7], $0x2000  }
0x85: {  	[sflag:s7] =	ssyncset.done $0x0  }
0x86: {  	[sflag:s7] =	ssyncadd.s32 $0xFFFFE000  }
0x87: {  	_ =	swait.ge [sflag:s7], $0x2000  }
0x88: {  	[sflag:s7] =	ssyncset.done $0x0  }
0x89: {  	[sflag:s7] =	ssyncadd.s32 $0xFFFFE000  }
0x8a: {  	_ =	swait.ge [sflag:s8], $0x4000  }
0x8b: {  	[sflag:s8] =	ssyncset.done $0x0  }
0x8c: {  	s19 =	rddreg [dreg:$0x10];
	[sflag:s8] =	ssyncadd.s32 $0xFFFFC000  }
0x8d: {  	[tilespmem:s25], [sflag:$0x5] =	stream.linear.gather [hbm4b:s19+s12], $0x80, $0x38;
	[tilespmem:$0x1E580] =	vst v63  }
0x8e: {  	s20 =	simm.s32 $0x100  }
0x8f: {  	[tilespmem:s23], [sflag:$0x1] =	stream.indirect.gather [hbm4b:s1+s28], $0x80, s20, s28, $0xb8;
	[tilespmem:$0x1E580] =	vst v63  }
0x90: {  	s22 =	simm.s32 $0x140  }
0x91: {  	[tilespmem:s29], [sflag:$0x1] =	stream.indirect.gather [hbm4b:s1+s28], $0x80, s22, s28, $0xb8;
	[tilespmem:$0x1E580] =	vst v63  }
0x92: {  	_ =	swait.ge [sflag:s9], $0x80  }
.Ltmp3:
0x93: {  	[sflag:s9] =	ssyncset.done $0x0;
	(pc) =	sbr.rel .LBB2_4-.Ltmp3, $4  }
0x94: {  	[sflag:s9] =	ssyncadd.s32 $0xFFFFFF80  }
0x95: {  	[spmem:s2] =	stream.indirect.scatter.add.f32 [tilespmem:s31], [sflag:$0x4], $0x80, s26, s30, $0xb8;
	[tilespmem:$0x1E580] =	vst v63  }
0x96: {  	s22 =	smov.u32 s16  }
0x97: {  	[tilespmem:s26], [sflag:$0x6] =	stream.linear.gather [hbm4b:s21+s12], $0x80, $0x38;
	[tilespmem:$0x1E580] =	vst v63  }
.LBB2_6:
0x98: {  	s12 =	sadd.s32 $0x400, s12  }
0x99: {  	p2 =	sne.s32 s12, $0x9C00  }
.Ltmp4:
0x9a: {  	_ = 	snop;
	(pc) =	sbr.rel @!p2 .LBB2_7-.Ltmp4, $2  }
0x9b: {  	_ =	sdelay $0x2  }
0x9c: {  	s14 =	sadd.s32 $0x1, s14;
	s22 =	sadd.s32 $0x20, s22  }
.LBB2_4:
0x9d: {  	p2 =	sge.u32 s14, s5  }
.Ltmp5:
0x9e: {  	_ = 	snop;
	(pc) =	sbr.rel @p2 .LBB2_6-.Ltmp5, $1  }
0x9f: {  	_ =	sdelay $0x3  }
0xa0: {  	_ =	swait.ge [sflag:s10], $0x2000  }
0xa1: {  	[sflag:s10] =	ssyncset.done $0x0  }
0xa2: {  	[sflag:s10] =	ssyncadd.s32 $0xFFFFE000  }
0xa3: {  	_ =	swait.ge [sflag:s10], $0x2000  }
0xa4: {  	[sflag:s10] =	ssyncset.done $0x0  }
0xa5: {  	[sflag:s10] =	ssyncadd.s32 $0xFFFFE000  }
0xa6: {  	_ =	swait.ge [sflag:s11], $0x4000  }
0xa7: {  	s17 =	sshra.s32 s12, $0x2;
	[sflag:s11] =	ssyncset.done $0x0  }
0xa8: {  	s18 =	sadd.s32 $0x180, s17;
	[sflag:s11] =	ssyncadd.s32 $0xFFFFC000  }
0xa9: {  	[tilespmem:s31], [sflag:$0x2] =	stream.indirect.gather [hbm4b:s1+s28], $0x80, s18, s28, $0xb8;
	[tilespmem:$0x1E580] =	vst v63  }
0xaa: {  	s17 =	sadd.s32 $0x1C0, s17  }
0xab: {  	[tilespmem:s3], [sflag:$0x2] =	stream.indirect.gather [hbm4b:s1+s28], $0x80, s17, s28, $0xb8;
	[tilespmem:$0x1E580] =	vst v63  }
0xac: {  	_ =	swait.ge [sflag:s0], $0x80  }
0xad: {  	[sflag:s0] =	ssyncset.done $0x0  }
0xae: {  	[sflag:s0] =	ssyncadd.s32 $0xFFFFFF80  }
0xaf: {  	[spmem:s2] =	stream.indirect.scatter.add.f32 [tilespmem:s23], [sflag:$0x3], $0x80, s25, s30, $0xb8;
	[tilespmem:$0x1E580] =	vst v63  }
0xb0: {  	_ =	swait.ge [sflag:s7], $0x2000  }
0xb1: {  	[sflag:s7] =	ssyncset.done $0x0  }
0xb2: {  	[sflag:s7] =	ssyncadd.s32 $0xFFFFE000  }
0xb3: {  	_ =	swait.ge [sflag:s7], $0x2000  }
0xb4: {  	[sflag:s7] =	ssyncset.done $0x0  }
0xb5: {  	[sflag:s7] =	ssyncadd.s32 $0xFFFFE000  }
0xb6: {  	_ =	swait.ge [sflag:s8], $0x4000  }
0xb7: {  	p2 =	sge.u32 s14, s15;
	[sflag:s8] =	ssyncset.done $0x0  }
0xb8: {  	s17 =	simm.s32 @p2 $0x6;
	[sflag:s8] =	ssyncadd.s32 $0xFFFFC000  }
0xb9: {  	_ =	swait.ge @p2 [sflag:s17], $0x80  }
0xba: {  	s13 =	simm.s32 @p2 $0x6980;
	[sflag:s17] =	ssyncset.done @p2 $0x0  }
0xbb: {  	s18 =	simm.s32 @p2 $0x2880;
	[sflag:s17] =	ssyncadd.s32 @p2 $0xFFFFFF80;
	s17 =	simm.s32 @p2 $0x80  }
0xbc: {  	[spmem:s2] =	stream.indirect.scatter.add.f32 @p2 [tilespmem:s13], [sflag:$0x4], $0x80, s18, s17, $0xb8;
	[tilespmem:$0x1E580] =	vst v63  }
0xbd: {  	s13 =	sadd.s32 @!p2 $0xFFFFFFF0, s22;
	s17 =	simm.s32 @!p2 $0x0;
	s18 =	simm.s32 @!p2 $0x2800  }
0xbe: {  	[tilespmem:s18], [sflag:$0x5] =	stream.linear.gather @!p2 [hbm4b:s13+s17], $0x80, $0x38;
	[tilespmem:$0x1E580] =	vst v63  }
0xbf: {  	s13 =	sshra.s32 @!p2 s12, $0x2  }
0xc0: {  	s19 =	simm.s32 @!p2 $0x40;
	s20 =	simm.s32 @!p2 $0x2980;
	s18 =	sadd.s32 @!p2 $0x200, s13  }
0xc1: {  	[tilespmem:s20], [sflag:$0x1] =	stream.indirect.gather @!p2 [hbm4b:s1+s19], $0x80, s18, s19, $0xb8;
	[tilespmem:$0x1E580] =	vst v63  }
0xc2: {  	s13 =	sadd.s32 @!p2 $0x240, s13;
	s18 =	simm.s32 @!p2 $0x4980  }
0xc3: {  	[tilespmem:s18], [sflag:$0x1] =	stream.indirect.gather @!p2 [hbm4b:s1+s19], $0x80, s13, s19, $0xb8;
	[tilespmem:$0x1E580] =	vst v63  }
0xc4: {  	s13 =	simm.s32 @!p2 $0x6  }
0xc5: {  	_ =	swait.ge @!p2 [sflag:s13], $0x80  }
.Ltmp6:
0xc6: {  	s18 =	simm.s32 @!p2 $0x2880;
	[sflag:s13] =	ssyncset.done @!p2 $0x0;
	(pc) =	sbr.rel .LBB2_6-.Ltmp6, $4  }
0xc7: {  	s19 =	simm.s32 @!p2 $0x6980;
	[sflag:s13] =	ssyncadd.s32 @!p2 $0xFFFFFF80;
	s13 =	simm.s32 @!p2 $0x80  }
0xc8: {  	[spmem:s2] =	stream.indirect.scatter.add.f32 @!p2 [tilespmem:s19], [sflag:$0x4], $0x80, s18, s13, $0xb8;
	[tilespmem:$0x1E580] =	vst v63  }
0xc9: {  	_ = 	snop  }
0xca: {  	[tilespmem:s18], [sflag:$0x6] =	stream.linear.gather @!p2 [hbm4b:s22+s17], $0x80, $0x38;
	[tilespmem:$0x1E580] =	vst v63  }
.LBB2_8:
0xcb: {  	_ =	sfence.sel $0x180000  }
0xcc: {  	[bflag:$0x0] =	sbarrier.arrive $0xFFFF  }
0xcd: {  	_ =	strace $0x90000047  }
0xce: {  	s0 =	stileid.u32;
	[bflag:$0x2] =	sbarrier.arrive $0xFFFF  }
0xcf: {  	p0 =	sne.s32 s0, $0x0;
	s0 =	rddreg [dreg:$0x3]  }
0xd0: {  	s0 =	sadd.s32 @!p0 $0x100000, s0  }
0xd1: {  	[sflag:s0] =	ssyncadd.tile.s32 @!p0 $0x1;
	_ =	shalt  }
.Lfunc_end2:
_tile_overlayer_lowered:
.L_overlay_start_2:
0xd2: {  	(tag) =	ssettag $0x2  }
0xd3: {  	s0 =	rddreg [dreg:$0x0];
	s2 =	stileid.u32  }
0xd4: {  	s1 =	rddreg [dreg:$0x1];
	p0 =	sne.s32 s2, $0x0  }
0xd5: {  	s3 =	rddreg [dreg:$0x2];
	[bflag:$0x3] =	sbarrier.arrive $0xFFFF;
	s2 =	simm.s32 @!p0 $0x1C07  }
0xd6: {  	[timem:s3], [sflag:s2] =	dma.local @!p0 [hbm:s0], s1  }
0xd7: {  	s0 =	simm.s32 @!p0 $0x7  }
0xd8: {  	_ =	swait.ge @!p0 [sflag:s0], s1  }
0xd9: {  	s1 =	ssub.s32 @!p0 $0x0, s1;
	[sflag:s0] =	ssyncset.done @!p0 $0x0  }
0xda: {  	[sflag:s0] =	ssyncadd.s32 @!p0 s1  }
0xdb: {  	[bflag:$0x3] =	sbarrier.arrive $0xFFFF  }
0xdc: {  	_ =	shalt  }

</sc_bundles>
